<compile_context>
chip_gen: v7x
topology: tpu7x:2x2x1
jax: 0.10.2.dev20260603
libtpu: 0.0.44.dev20260713+nightly
codegen_flags: <defaults>
</compile_context>

<pallas_src>
import functools

import jax
import jax.numpy as jnp
from jax import lax
from jax.experimental import pallas as pl
from jax.experimental.pallas import tpu as pltpu
from jax.experimental.pallas import tpu_sc as plsc

B, Q, HM, WM = 4, 200, 128, 128
T, D = 1024, 768
C1 = 81
TOP_K = 16
EPS = 1e-06
GH = 32
NSLOT = B * TOP_K


def _scores_topk_body(logits_ref, scores_ref, tks_ref, tki_ref, tkc_ref, fidx_ref):
    l = logits_ref[...]
    m = jnp.max(l, axis=-1, keepdims=True)
    p = jnp.exp(l - m)
    s = jnp.sum(p, axis=-1, keepdims=True)
    probs = p / s
    fg = probs[:, :, : C1 - 1]
    sc3 = jnp.max(fg, axis=-1, keepdims=True)
    cio = lax.broadcasted_iota(jnp.int32, (B, Q, C1 - 1), 2)
    cls3 = jnp.min(jnp.where(fg == sc3, cio, C1), axis=-1, keepdims=True)

    ii = lax.broadcasted_iota(jnp.int32, (Q, Q), 0)
    jj = lax.broadcasted_iota(jnp.int32, (Q, Q), 1)
    ro = lax.broadcasted_iota(jnp.int32, (Q, TOP_K), 1)
    qio = lax.broadcasted_iota(jnp.int32, (Q, TOP_K), 0)

    for b in range(B):
        sc = sc3[b]
        sc_row = sc.T
        scores_ref[pl.ds(b, 1), :] = sc_row

        beats = (sc_row > sc) | ((sc_row == sc) & (jj < ii))
        rank = jnp.sum(beats.astype(jnp.int32), axis=-1, keepdims=True)

        onehot = rank == ro
        tki_row = jnp.sum(jnp.where(onehot, qio, 0), axis=0, keepdims=True)
        tks_ref[pl.ds(b, 1), :] = jnp.sum(jnp.where(onehot, sc, 0.0), axis=0, keepdims=True)
        tki_ref[pl.ds(b, 1), :] = tki_row
        tkc_ref[pl.ds(b, 1), :] = jnp.sum(jnp.where(onehot, cls3[b], 0), axis=0, keepdims=True)
        so = lax.broadcasted_iota(jnp.int32, (1, 2 * GH), 1)
        off = ((so >> 1) << 2) + 1 + (so & 1)
        gq = HM * (tki_row.T + b * Q)
        fidx_ref[pl.ds(b * TOP_K, TOP_K), :] = gq + off


def _scores_topk(class_logits):
    return pl.pallas_call(
        _scores_topk_body,
        out_shape=(
            jax.ShapeDtypeStruct((B, Q), jnp.float32),
            jax.ShapeDtypeStruct((B, TOP_K), jnp.float32),
            jax.ShapeDtypeStruct((B, TOP_K), jnp.int32),
            jax.ShapeDtypeStruct((B, TOP_K), jnp.int32),
            jax.ShapeDtypeStruct((NSLOT, 2 * GH), jnp.int32),
        ),
    )(class_logits)


def _sc_body(ridx_hbm, rows_hbm, out_hbm, idx_v, rows_v, sem):
    info = plsc.get_sparse_core_info()
    wid = lax.axis_index("s") * info.num_cores + lax.axis_index("c")

    pltpu.sync_copy(ridx_hbm.at[pl.ds(wid * 2, 2)], idx_v)
    c0 = pltpu.async_copy(rows_hbm.at[idx_v.at[0]], rows_v.at[0], sem)
    c1 = pltpu.async_copy(rows_hbm.at[idx_v.at[1]], rows_v.at[1], sem)
    c0.wait()
    c1.wait()
    pltpu.sync_copy(rows_v, out_hbm.at[pl.ds(wid * 2, 2)])


def _sc_gather_rows(ridx, soft_masks):
    rows = soft_masks.reshape(B * Q * HM, WM)
    mesh = plsc.VectorSubcoreMesh(core_axis_name="c", subcore_axis_name="s")
    k = functools.partial(
        pl.kernel,
        out_type=jax.ShapeDtypeStruct((NSLOT, 2 * GH, WM), jnp.float32),
        mesh=mesh,
        scratch_types=[
            pltpu.VMEM((2, 2 * GH), jnp.int32),
            pltpu.VMEM((2, 2 * GH, WM), jnp.float32),
            pltpu.SemaphoreType.DMA,
        ],
    )(_sc_body)
    return k(ridx, rows)


def _pool_body(rs_ref, v_ref, out_ref, w_scratch):
    rs = rs_ref[0]
    r3 = rs.reshape(TOP_K * GH, 2, WM)
    rowsum = r3[:, 0, :] + r3[:, 1, :]
    rT = lax.broadcasted_iota(jnp.int32, (WM, GH), 0)
    cT = lax.broadcasted_iota(jnp.int32, (WM, GH), 1)
    selT = ((rT == 4 * cT + 1) | (rT == 4 * cT + 2)).astype(jnp.float32)
    resized_all = 0.25 * jnp.dot(rowsum, selT, precision=lax.Precision.HIGHEST,
                                 preferred_element_type=jnp.float32)

    for k in range(TOP_K):
        w_scratch[:, k, :] = resized_all[k * GH:(k + 1) * GH, :]

    num = jnp.zeros((TOP_K, D), jnp.float32)
    den = jnp.zeros((TOP_K, 1), jnp.float32)
    for g in range(GH):
        sg = w_scratch[g]
        vg = v_ref[0, pl.ds(g * GH, GH), :]
        num = num + jnp.dot(sg, vg, preferred_element_type=jnp.float32)
        den = den + jnp.sum(sg, axis=1, keepdims=True)
    out_ref[0] = num / (den + EPS)


def _pool(rs, visual_features):
    return pl.pallas_call(
        _pool_body,
        grid=(B,),
        in_specs=[
            pl.BlockSpec((1, TOP_K * 2 * GH, WM), lambda b: (b, 0, 0)),
            pl.BlockSpec((1, T, D), lambda b: (b, 0, 0)),
        ],
        out_specs=pl.BlockSpec((1, TOP_K, D), lambda b: (b, 0, 0)),
        out_shape=jax.ShapeDtypeStruct((B, TOP_K, D), jnp.float32),
        scratch_shapes=[pltpu.VMEM((GH, TOP_K, GH), jnp.float32)],
    )(rs, visual_features)


@functools.partial(jax.jit)
def kernel(soft_masks, visual_features, class_logits):
    scores, topk_scores, topk_indices, topk_class_ids, ridx = _scores_topk(class_logits)
    rs = _sc_gather_rows(ridx, soft_masks).reshape(B, TOP_K * 2 * GH, WM)
    pooled = _pool(rs, visual_features)
    return pooled, topk_scores, topk_indices, topk_class_ids, scores

# --- scband reference (transcript-rebuilt; emitter-appended) ---
"""Pipeline reference for scband-mask-guided-pooler-24215025614895 (READ-ONLY COPY).

The authoritative reference and input builder live on the scoring server;
editing this copy changes nothing except your own understanding.
"""

import jax, jax.numpy as jnp
import numpy as np

B, Q, HM, WM = 4, 200, 128, 128
T, D = 1024, 768
C1 = 81
TOP_K = 16
EPS = 1e-06


def setup_inputs(seed: int = 0) -> dict:
    key = jax.random.key(seed)
    k1, k2, k3 = jax.random.split(key, 3)
    return {
        "soft_masks": jax.random.normal(k1, (B, Q, HM, WM), dtype=jnp.float32),
        "visual_features": jax.random.normal(k2, (B, T, D), dtype=jnp.float32),
        "class_logits": jax.random.normal(k3, (B, Q, C1), dtype=jnp.float32),
    }


def reference(soft_masks, visual_features, class_logits):
    # Infer prefix + square grid: T=1024 is a perfect square -> prefix=0, 32x32 grid
    gh = int(np.sqrt(T))
    gw = gh
    prefix = 0
    grid_tokens = visual_features[:, prefix:, :]

    # F.interpolate(..., mode='bilinear', align_corners=False) equivalent
    resized = jax.image.resize(
        soft_masks.astype(jnp.float32),
        (soft_masks.shape[0], soft_masks.shape[1], gh, gw),
        method="linear",
        antialias=False,
    )

    # selection == 'class_confidence'
    class_probs = jax.nn.softmax(class_logits.astype(jnp.float32), axis=-1)
    fg_probs = class_probs[:, :, :-1]
    scores = jnp.max(fg_probs, axis=-1)  # (B, Q)

    k = max(1, min(int(TOP_K), Q))
    topk_scores, topk_indices = jax.lax.top_k(scores, k)  # (B, k)

    max_class_ids = jnp.argmax(fg_probs, axis=-1)  # (B, Q)
    topk_class_ids = jnp.take_along_axis(max_class_ids, topk_indices, axis=1)

    # Gather selected masks and pool grid tokens with mask weights
    selected_masks = jnp.take_along_axis(
        resized, topk_indices[:, :, None, None], axis=1
    )  # (B, k, gh, gw)
    weights = selected_masks.reshape(selected_masks.shape[0], k, gh * gw)  # (B, k, HW)
    numerator = jnp.einsum("bkt,btd->bkd", weights, grid_tokens)
    denominator = jnp.sum(weights, axis=-1, keepdims=True) + EPS
    pooled_tokens = numerator / denominator  # (B, k, D)

    return pooled_tokens, topk_scores, topk_indices, topk_class_ids, scores

if __name__ == "__main__":
    import jax
    _d = setup_inputs()
    print(jax.jit(kernel)(*tuple(_d.values())))

</pallas_src>

<mosaic_0001>
#map = affine_map<(d0, d1) -> (0, 0)>
#map1 = affine_map<(d0, d1) -> (0, 0, 0)>
module attributes {stable_mosaic.version = 14 : i64} {
  func.func @_sc_body(%arg0: i32, %arg1: i32, %arg2: memref<64x64xi32, #tpu.memory_space<hbm>>, %arg3: memref<102400x128xf32, #tpu.memory_space<hbm>>, %arg4: memref<64x64x128xf32, #tpu.memory_space<hbm>>, %arg5: memref<2x64xi32, #tpu.memory_space<vmem>>, %arg6: memref<2x64x128xf32, #tpu.memory_space<vmem>>, %arg7: memref<!tpu.dma_semaphore, #tpu.memory_space<semaphore_mem>>) attributes {dimension_semantics = [#tpu.dimension_semantics<core_parallel>, #tpu.dimension_semantics<subcore_parallel>], iteration_bounds = array<i64: 2, 16>, scalar_prefetch = 0 : i64, scratch_operands = 3 : i64, tpu.core_type = #tpu.core_type<sc_vector_subcore>, window_params = [{transform_indices = #map}, {transform_indices = #map}, {transform_indices = #map1}]} {
    %mul3A = arith.constant 2 : i32
    %mul3A_0 = arith.muli %arg1, %mul3A : i32
    %add3A = arith.addi %mul3A_0, %arg0 : i32
    %mul3A_1 = arith.constant 2 : i32
    %mul3A_2 = arith.muli %add3A, %mul3A_1 : i32
    "tpu.region"() ({
      %run_scoped3A = tpu.sem_alloc : memref<!tpu.dma_semaphore, #tpu.memory_space<semaphore_mem>>
      %dma_start3A_51 = arith.constant 0 : i32
      %dma_start3A_52 = tpu.memref_slice %arg2[%mul3A_2, %dma_start3A_51] : memref<64x64xi32, #tpu.memory_space<hbm>> -> memref<2x64xi32, #tpu.memory_space<hbm>>
      %dma_start3A_53 = arith.constant 0 : i32
      %dma_start3A_54 = tpu.memref_slice %arg2[%mul3A_2, %dma_start3A_53] : memref<64x64xi32, #tpu.memory_space<hbm>> -> memref<2x64xi32, #tpu.memory_space<hbm>>
      tpu.enqueue_dma source(%dma_start3A_54 : memref<2x64xi32, #tpu.memory_space<hbm>>) target(%arg5 : memref<2x64xi32, #tpu.memory_space<vmem>>) target_semaphore(%run_scoped3A : memref<!tpu.dma_semaphore, #tpu.memory_space<semaphore_mem>>)
      %dma_wait3A_55 = arith.constant 0 : i32
      %dma_wait3A_56 = tpu.memref_slice %arg2[%mul3A_2, %dma_wait3A_55] : memref<64x64xi32, #tpu.memory_space<hbm>> -> memref<2x64xi32, #tpu.memory_space<hbm>>
      %dma_wait3A_57 = arith.constant 0 : i32
      %dma_wait3A_58 = tpu.memref_slice %arg2[%mul3A_2, %dma_wait3A_57] : memref<64x64xi32, #tpu.memory_space<hbm>> -> memref<2x64xi32, #tpu.memory_space<hbm>>
      tpu.wait_dma2 semaphore(%run_scoped3A : memref<!tpu.dma_semaphore, #tpu.memory_space<semaphore_mem>>) src(%dma_wait3A_58 : memref<2x64xi32, #tpu.memory_space<hbm>>) dst(%arg5 : memref<2x64xi32, #tpu.memory_space<vmem>>)
      tpu.yield
    }) : () -> ()
    %dma_start3A = arith.constant 0 : i32
    %dma_start3A_3 = arith.constant 0 : i32
    %dma_start3A_4 = arith.constant 0 : i32
    %dma_start3A_5 = arith.constant 0 : i32
    %dma_start3A_6 = tpu.memref_slice %arg6[%dma_start3A_3, %dma_start3A_4, %dma_start3A_5] : memref<2x64x128xf32, #tpu.memory_space<vmem>> -> memref<1x64x128xf32, #tpu.memory_space<vmem>>
    %dma_start3A_7 = tpu.memref_squeeze %dma_start3A_6 : memref<1x64x128xf32, #tpu.memory_space<vmem>> -> memref<64x128xf32, #tpu.memory_space<vmem>>
    %dma_start3A_8 = arith.constant 0 : i32
    %dma_start3A_9 = tpu.memref_slice %arg5[%dma_start3A, %dma_start3A_8] : memref<2x64xi32, #tpu.memory_space<vmem>> -> memref<1x64xi32, #tpu.memory_space<vmem>>
    %dma_start3A_10 = tpu.memref_squeeze %dma_start3A_9 : memref<1x64xi32, #tpu.memory_space<vmem>> -> memref<64xi32, #tpu.memory_space<vmem>>
    %dma_start3A_11 = arith.constant 0 : i32
    %dma_start3A_12 = arith.constant 0 : i32
    %dma_start3A_13 = tpu.memref_slice %arg3[%dma_start3A_11, %dma_start3A_12] : memref<102400x128xf32, #tpu.memory_space<hbm>> -> memref<102400x128xf32, #tpu.memory_space<hbm>>
    tpu.enqueue_indirect_dma source(%dma_start3A_13 : memref<102400x128xf32, #tpu.memory_space<hbm>>) target(%dma_start3A_7 : memref<64x128xf32, #tpu.memory_space<vmem>>) offsets(%dma_start3A_10 : memref<64xi32, #tpu.memory_space<vmem>>) semaphore(%arg7 : memref<!tpu.dma_semaphore, #tpu.memory_space<semaphore_mem>>)
    %dma_start3A_14 = arith.constant 1 : i32
    %dma_start3A_15 = arith.constant 1 : i32
    %dma_start3A_16 = arith.constant 0 : i32
    %dma_start3A_17 = arith.constant 0 : i32
    %dma_start3A_18 = tpu.memref_slice %arg6[%dma_start3A_15, %dma_start3A_16, %dma_start3A_17] : memref<2x64x128xf32, #tpu.memory_space<vmem>> -> memref<1x64x128xf32, #tpu.memory_space<vmem>>
    %dma_start3A_19 = tpu.memref_squeeze %dma_start3A_18 : memref<1x64x128xf32, #tpu.memory_space<vmem>> -> memref<64x128xf32, #tpu.memory_space<vmem>>
    %dma_start3A_20 = arith.constant 0 : i32
    %dma_start3A_21 = tpu.memref_slice %arg5[%dma_start3A_14, %dma_start3A_20] : memref<2x64xi32, #tpu.memory_space<vmem>> -> memref<1x64xi32, #tpu.memory_space<vmem>>
    %dma_start3A_22 = tpu.memref_squeeze %dma_start3A_21 : memref<1x64xi32, #tpu.memory_space<vmem>> -> memref<64xi32, #tpu.memory_space<vmem>>
    %dma_start3A_23 = arith.constant 0 : i32
    %dma_start3A_24 = arith.constant 0 : i32
    %dma_start3A_25 = tpu.memref_slice %arg3[%dma_start3A_23, %dma_start3A_24] : memref<102400x128xf32, #tpu.memory_space<hbm>> -> memref<102400x128xf32, #tpu.memory_space<hbm>>
    tpu.enqueue_indirect_dma source(%dma_start3A_25 : memref<102400x128xf32, #tpu.memory_space<hbm>>) target(%dma_start3A_19 : memref<64x128xf32, #tpu.memory_space<vmem>>) offsets(%dma_start3A_22 : memref<64xi32, #tpu.memory_space<vmem>>) semaphore(%arg7 : memref<!tpu.dma_semaphore, #tpu.memory_space<semaphore_mem>>)
    %dma_wait3A = arith.constant 0 : i32
    %dma_wait3A_26 = arith.constant 0 : i32
    %dma_wait3A_27 = arith.constant 0 : i32
    %dma_wait3A_28 = arith.constant 0 : i32
    %dma_wait3A_29 = tpu.memref_slice %arg6[%dma_wait3A_26, %dma_wait3A_27, %dma_wait3A_28] : memref<2x64x128xf32, #tpu.memory_space<vmem>> -> memref<1x64x128xf32, #tpu.memory_space<vmem>>
    %dma_wait3A_30 = tpu.memref_squeeze %dma_wait3A_29 : memref<1x64x128xf32, #tpu.memory_space<vmem>> -> memref<64x128xf32, #tpu.memory_space<vmem>>
    %dma_wait3A_31 = arith.constant 0 : i32
    %dma_wait3A_32 = tpu.memref_slice %arg5[%dma_wait3A, %dma_wait3A_31] : memref<2x64xi32, #tpu.memory_space<vmem>> -> memref<1x64xi32, #tpu.memory_space<vmem>>
    %dma_wait3A_33 = tpu.memref_squeeze %dma_wait3A_32 : memref<1x64xi32, #tpu.memory_space<vmem>> -> memref<64xi32, #tpu.memory_space<vmem>>
    %dma_wait3A_34 = arith.constant 0 : i32
    %dma_wait3A_35 = arith.constant 0 : i32
    %dma_wait3A_36 = tpu.memref_slice %arg3[%dma_wait3A_34, %dma_wait3A_35] : memref<102400x128xf32, #tpu.memory_space<hbm>> -> memref<102400x128xf32, #tpu.memory_space<hbm>>
    tpu.wait_indirect_dma semaphore(%arg7 : memref<!tpu.dma_semaphore, #tpu.memory_space<semaphore_mem>>) src(%dma_wait3A_36 : memref<102400x128xf32, #tpu.memory_space<hbm>>) dst(%dma_wait3A_30 : memref<64x128xf32, #tpu.memory_space<vmem>>)
    %dma_wait3A_37 = arith.constant 1 : i32
    %dma_wait3A_38 = arith.constant 1 : i32
    %dma_wait3A_39 = arith.constant 0 : i32
    %dma_wait3A_40 = arith.constant 0 : i32
    %dma_wait3A_41 = tpu.memref_slice %arg6[%dma_wait3A_38, %dma_wait3A_39, %dma_wait3A_40] : memref<2x64x128xf32, #tpu.memory_space<vmem>> -> memref<1x64x128xf32, #tpu.memory_space<vmem>>
    %dma_wait3A_42 = tpu.memref_squeeze %dma_wait3A_41 : memref<1x64x128xf32, #tpu.memory_space<vmem>> -> memref<64x128xf32, #tpu.memory_space<vmem>>
    %dma_wait3A_43 = arith.constant 0 : i32
    %dma_wait3A_44 = tpu.memref_slice %arg5[%dma_wait3A_37, %dma_wait3A_43] : memref<2x64xi32, #tpu.memory_space<vmem>> -> memref<1x64xi32, #tpu.memory_space<vmem>>
    %dma_wait3A_45 = tpu.memref_squeeze %dma_wait3A_44 : memref<1x64xi32, #tpu.memory_space<vmem>> -> memref<64xi32, #tpu.memory_space<vmem>>
    %dma_wait3A_46 = arith.constant 0 : i32
    %dma_wait3A_47 = arith.constant 0 : i32
    %dma_wait3A_48 = tpu.memref_slice %arg3[%dma_wait3A_46, %dma_wait3A_47] : memref<102400x128xf32, #tpu.memory_space<hbm>> -> memref<102400x128xf32, #tpu.memory_space<hbm>>
    tpu.wait_indirect_dma semaphore(%arg7 : memref<!tpu.dma_semaphore, #tpu.memory_space<semaphore_mem>>) src(%dma_wait3A_48 : memref<102400x128xf32, #tpu.memory_space<hbm>>) dst(%dma_wait3A_42 : memref<64x128xf32, #tpu.memory_space<vmem>>)
    %mul3A_49 = arith.constant 2 : i32
    %mul3A_50 = arith.muli %add3A, %mul3A_49 : i32
    "tpu.region"() ({
      %run_scoped3A = tpu.sem_alloc : memref<!tpu.dma_semaphore, #tpu.memory_space<semaphore_mem>>
      %dma_start3A_51 = arith.constant 0 : i32
      %dma_start3A_52 = arith.constant 0 : i32
      %dma_start3A_53 = tpu.memref_slice %arg4[%mul3A_50, %dma_start3A_51, %dma_start3A_52] : memref<64x64x128xf32, #tpu.memory_space<hbm>> -> memref<2x64x128xf32, #tpu.memory_space<hbm>>
      %dma_start3A_54 = arith.constant 0 : i32
      %dma_start3A_55 = arith.constant 0 : i32
      %dma_start3A_56 = tpu.memref_slice %arg4[%mul3A_50, %dma_start3A_54, %dma_start3A_55] : memref<64x64x128xf32, #tpu.memory_space<hbm>> -> memref<2x64x128xf32, #tpu.memory_space<hbm>>
      tpu.enqueue_dma source(%arg6 : memref<2x64x128xf32, #tpu.memory_space<vmem>>) target(%dma_start3A_56 : memref<2x64x128xf32, #tpu.memory_space<hbm>>) target_semaphore(%run_scoped3A : memref<!tpu.dma_semaphore, #tpu.memory_space<semaphore_mem>>)
      %dma_wait3A_57 = arith.constant 0 : i32
      %dma_wait3A_58 = arith.constant 0 : i32
      %dma_wait3A_59 = tpu.memref_slice %arg4[%mul3A_50, %dma_wait3A_57, %dma_wait3A_58] : memref<64x64x128xf32, #tpu.memory_space<hbm>> -> memref<2x64x128xf32, #tpu.memory_space<hbm>>
      %dma_wait3A_60 = arith.constant 0 : i32
      %dma_wait3A_61 = arith.constant 0 : i32
      %dma_wait3A_62 = tpu.memref_slice %arg4[%mul3A_50, %dma_wait3A_60, %dma_wait3A_61] : memref<64x64x128xf32, #tpu.memory_space<hbm>> -> memref<2x64x128xf32, #tpu.memory_space<hbm>>
      tpu.wait_dma2 semaphore(%run_scoped3A : memref<!tpu.dma_semaphore, #tpu.memory_space<semaphore_mem>>) src(%arg6 : memref<2x64x128xf32, #tpu.memory_space<vmem>>) dst(%dma_wait3A_62 : memref<2x64x128xf32, #tpu.memory_space<hbm>>)
      tpu.yield
    }) : () -> ()
    return
  }
}

module attributes {stable_mosaic.version = 14 : i64} {
  func.func @_scores_topk_body(%arg0: memref<4x200x81xf32, #tpu.memory_space<vmem>>, %arg1: memref<4x200xf32, #tpu.memory_space<vmem>>, %arg2: memref<4x16xf32, #tpu.memory_space<vmem>>, %arg3: memref<4x16xi32, #tpu.memory_space<vmem>>, %arg4: memref<4x16xi32, #tpu.memory_space<vmem>>, %arg5: memref<64x64xi32, #tpu.memory_space<vmem>>) attributes {dimension_semantics = [], scalar_prefetch = 0 : i64, scratch_operands = 0 : i64, tpu.core_type = #tpu.core_type<tc>} {
    %get3A = arith.constant 0 : index
    %get3A_0 = arith.constant 0 : index
    %get3A_1 = arith.constant 0 : index
    %get3A_2 = vector.load %arg0[%get3A, %get3A_0, %get3A_1] : memref<4x200x81xf32, #tpu.memory_space<vmem>>, vector<4x200x81xf32>
    %reduce_max3A = arith.constant dense<0xFF800000> : vector<4x200xf32>
    %reduce_max3A_3 = vector.multi_reduction <maximumf>, %get3A_2, %reduce_max3A [2] : vector<4x200x81xf32> to vector<4x200xf32>
    %broadcast_in_dim3A = vector.shape_cast %reduce_max3A_3 : vector<4x200xf32> to vector<4x200x1xf32>
    %sub3A = vector.broadcast %broadcast_in_dim3A : vector<4x200x1xf32> to vector<4x200x81xf32>
    %sub3A_4 = arith.subf %get3A_2, %sub3A : vector<4x200x81xf32>
    %exp3A = math.exp %sub3A_4 : vector<4x200x81xf32>
    %reduce_sum3A = arith.constant dense<0.000000e+00> : vector<4x200xf32>
    %reduce_sum3A_5 = vector.multi_reduction <add>, %exp3A, %reduce_sum3A [2] : vector<4x200x81xf32> to vector<4x200xf32>
    %broadcast_in_dim3A_6 = vector.shape_cast %reduce_sum3A_5 : vector<4x200xf32> to vector<4x200x1xf32>
    %div3A = vector.broadcast %broadcast_in_dim3A_6 : vector<4x200x1xf32> to vector<4x200x81xf32>
    %div3A_7 = arith.divf %exp3A, %div3A : vector<4x200x81xf32>
    %slice3A = vector.extract_strided_slice %div3A_7 {offsets = [0, 0, 0], sizes = [4, 200, 80], strides = [1, 1, 1]} : vector<4x200x81xf32> to vector<4x200x80xf32>
    %reduce_max3A_8 = arith.constant dense<0xFF800000> : vector<4x200xf32>
    %reduce_max3A_9 = vector.multi_reduction <maximumf>, %slice3A, %reduce_max3A_8 [2] : vector<4x200x80xf32> to vector<4x200xf32>
    %broadcast_in_dim3A_10 = vector.shape_cast %reduce_max3A_9 : vector<4x200xf32> to vector<4x200x1xf32>
    %iota3A = tpu.iota {dimensions = array<i32: 2>} : vector<4x200x80xi32>
    %eq3A = vector.broadcast %broadcast_in_dim3A_10 : vector<4x200x1xf32> to vector<4x200x80xf32>
    %eq3A_11 = arith.cmpf oeq, %slice3A, %eq3A : vector<4x200x80xf32>
    %jit3A = arith.constant 81 : i32
    %broadcast_in_dim3A_12 = vector.broadcast %jit3A : i32 to vector<4x200x80xi32>
    %select_n3A = arith.select %eq3A_11, %iota3A, %broadcast_in_dim3A_12 : vector<4x200x80xi1>, vector<4x200x80xi32>
    %reduce_min3A = arith.constant dense<2147483647> : vector<4x200xi32>
    %reduce_min3A_13 = vector.multi_reduction <minsi>, %select_n3A, %reduce_min3A [2] : vector<4x200x80xi32> to vector<4x200xi32>
    %broadcast_in_dim3A_14 = vector.shape_cast %reduce_min3A_13 : vector<4x200xi32> to vector<4x200x1xi32>
    %iota3A_15 = tpu.iota {dimensions = array<i32: 0>} : vector<200x200xi32>
    %iota3A_16 = tpu.iota {dimensions = array<i32: 1>} : vector<200x200xi32>
    %iota3A_17 = tpu.iota {dimensions = array<i32: 1>} : vector<200x16xi32>
    %iota3A_18 = tpu.iota {dimensions = array<i32: 0>} : vector<200x16xi32>
    %slice3A_19 = vector.extract_strided_slice %broadcast_in_dim3A_10 {offsets = [0, 0, 0], sizes = [1, 200, 1], strides = [1, 1, 1]} : vector<4x200x1xf32> to vector<1x200x1xf32>
    %squeeze3A = vector.shape_cast %slice3A_19 : vector<1x200x1xf32> to vector<200x1xf32>
    %transpose3A = tpu.transpose %squeeze3A, [1, 0] : vector<200x1xf32> -> vector<1x200xf32>
    %swap3A = arith.constant 0 : index
    %swap3A_20 = arith.constant 0 : index
    %swap3A_21 = vector.load %arg1[%swap3A, %swap3A_20] : memref<4x200xf32, #tpu.memory_space<vmem>>, vector<1x200xf32>
    tpu.vector_store %arg1[%swap3A, %swap3A_20], %transpose3A {strides = array<i32>} : memref<4x200xf32, #tpu.memory_space<vmem>>, vector<1x200xf32>,
    %gt3A = vector.broadcast %transpose3A : vector<1x200xf32> to vector<200x200xf32>
    %gt3A_22 = vector.broadcast %squeeze3A : vector<200x1xf32> to vector<200x200xf32>
    %gt3A_23 = arith.cmpf ogt, %gt3A, %gt3A_22 : vector<200x200xf32>
    %eq3A_24 = vector.broadcast %transpose3A : vector<1x200xf32> to vector<200x200xf32>
    %eq3A_25 = vector.broadcast %squeeze3A : vector<200x1xf32> to vector<200x200xf32>
    %eq3A_26 = arith.cmpf oeq, %eq3A_24, %eq3A_25 : vector<200x200xf32>
    %lt3A = arith.cmpi slt, %iota3A_16, %iota3A_15 : vector<200x200xi32>
    %and3A = arith.andi %eq3A_26, %lt3A : vector<200x200xi1>
    %or3A = arith.ori %gt3A_23, %and3A : vector<200x200xi1>
    %convert_element_type3A = arith.extui %or3A : vector<200x200xi1> to vector<200x200xi32>
    %reduce_sum3A_27 = arith.constant dense<0> : vector<200xi32>
    %reduce_sum3A_28 = vector.multi_reduction <add>, %convert_element_type3A, %reduce_sum3A_27 [1] : vector<200x200xi32> to vector<200xi32>
    %broadcast_in_dim3A_29 = vector.shape_cast %reduce_sum3A_28 : vector<200xi32> to vector<200x1xi32>
    %eq3A_30 = vector.broadcast %broadcast_in_dim3A_29 : vector<200x1xi32> to vector<200x16xi32>
    %eq3A_31 = arith.cmpi eq, %eq3A_30, %iota3A_17 : vector<200x16xi32>
    %jit3A_32 = arith.constant 0 : i32
    %broadcast_in_dim3A_33 = vector.broadcast %jit3A_32 : i32 to vector<200x16xi32>
    %select_n3A_34 = arith.select %eq3A_31, %iota3A_18, %broadcast_in_dim3A_33 : vector<200x16xi1>, vector<200x16xi32>
    %reduce_sum3A_35 = arith.constant dense<0> : vector<16xi32>
    %reduce_sum3A_36 = vector.multi_reduction <add>, %select_n3A_34, %reduce_sum3A_35 [0] : vector<200x16xi32> to vector<16xi32>
    %broadcast_in_dim3A_37 = vector.shape_cast %reduce_sum3A_36 : vector<16xi32> to vector<1x16xi32>
    %jit3A_38 = arith.constant 0.000000e+00 : f32
    %broadcast_in_dim3A_39 = vector.shape_cast %squeeze3A : vector<200x1xf32> to vector<200x1xf32>
    %broadcast_in_dim3A_40 = vector.broadcast %broadcast_in_dim3A_39 : vector<200x1xf32> to vector<200x16xf32>
    %broadcast_in_dim3A_41 = vector.broadcast %jit3A_38 : f32 to vector<200x16xf32>
    %select_n3A_42 = arith.select %eq3A_31, %broadcast_in_dim3A_40, %broadcast_in_dim3A_41 : vector<200x16xi1>, vector<200x16xf32>
    %reduce_sum3A_43 = arith.constant dense<0.000000e+00> : vector<16xf32>
    %reduce_sum3A_44 = vector.multi_reduction <add>, %select_n3A_42, %reduce_sum3A_43 [0] : vector<200x16xf32> to vector<16xf32>
    %broadcast_in_dim3A_45 = vector.shape_cast %reduce_sum3A_44 : vector<16xf32> to vector<1x16xf32>
    %swap3A_46 = arith.constant 0 : index
    %swap3A_47 = arith.constant 0 : index
    %swap3A_48 = vector.load %arg2[%swap3A_46, %swap3A_47] : memref<4x16xf32, #tpu.memory_space<vmem>>, vector<1x16xf32>
    tpu.vector_store %arg2[%swap3A_46, %swap3A_47], %broadcast_in_dim3A_45 {strides = array<i32>} : memref<4x16xf32, #tpu.memory_space<vmem>>, vector<1x16xf32>,
    %swap3A_49 = arith.constant 0 : index
    %swap3A_50 = arith.constant 0 : index
    %swap3A_51 = vector.load %arg3[%swap3A_49, %swap3A_50] : memref<4x16xi32, #tpu.memory_space<vmem>>, vector<1x16xi32>
    tpu.vector_store %arg3[%swap3A_49, %swap3A_50], %broadcast_in_dim3A_37 {strides = array<i32>} : memref<4x16xi32, #tpu.memory_space<vmem>>, vector<1x16xi32>,
    %slice3A_52 = vector.extract_strided_slice %broadcast_in_dim3A_14 {offsets = [0, 0, 0], sizes = [1, 200, 1], strides = [1, 1, 1]} : vector<4x200x1xi32> to vector<1x200x1xi32>
    %squeeze3A_53 = vector.shape_cast %slice3A_52 : vector<1x200x1xi32> to vector<200x1xi32>
    %jit3A_54 = arith.constant 0 : i32
    %broadcast_in_dim3A_55 = vector.shape_cast %squeeze3A_53 : vector<200x1xi32> to vector<200x1xi32>
    %broadcast_in_dim3A_56 = vector.broadcast %broadcast_in_dim3A_55 : vector<200x1xi32> to vector<200x16xi32>
    %broadcast_in_dim3A_57 = vector.broadcast %jit3A_54 : i32 to vector<200x16xi32>
    %select_n3A_58 = arith.select %eq3A_31, %broadcast_in_dim3A_56, %broadcast_in_dim3A_57 : vector<200x16xi1>, vector<200x16xi32>
    %reduce_sum3A_59 = arith.constant dense<0> : vector<16xi32>
    %reduce_sum3A_60 = vector.multi_reduction <add>, %select_n3A_58, %reduce_sum3A_59 [0] : vector<200x16xi32> to vector<16xi32>
    %broadcast_in_dim3A_61 = vector.shape_cast %reduce_sum3A_60 : vector<16xi32> to vector<1x16xi32>
    %swap3A_62 = arith.constant 0 : index
    %swap3A_63 = arith.constant 0 : index
    %swap3A_64 = vector.load %arg4[%swap3A_62, %swap3A_63] : memref<4x16xi32, #tpu.memory_space<vmem>>, vector<1x16xi32>
    tpu.vector_store %arg4[%swap3A_62, %swap3A_63], %broadcast_in_dim3A_61 {strides = array<i32>} : memref<4x16xi32, #tpu.memory_space<vmem>>, vector<1x16xi32>,
    %iota3A_65 = tpu.iota {dimensions = array<i32: 1>} : vector<1x64xi32>
    %shift_right_arithmetic3A = arith.constant 1 : i32
    %shift_right_arithmetic3A_66 = vector.broadcast %shift_right_arithmetic3A : i32 to vector<1x64xi32>
    %shift_right_arithmetic3A_67 = arith.shrsi %iota3A_65, %shift_right_arithmetic3A_66 : vector<1x64xi32>
    %shift_left3A = arith.constant 2 : i32
    %shift_left3A_68 = vector.broadcast %shift_left3A : i32 to vector<1x64xi32>
    %shift_left3A_69 = arith.shli %shift_right_arithmetic3A_67, %shift_left3A_68 : vector<1x64xi32>
    %add3A = arith.constant 1 : i32
    %add3A_70 = vector.broadcast %add3A : i32 to vector<1x64xi32>
    %add3A_71 = arith.addi %shift_left3A_69, %add3A_70 : vector<1x64xi32>
    %and3A_72 = arith.constant 1 : i32
    %and3A_73 = vector.broadcast %and3A_72 : i32 to vector<1x64xi32>
    %and3A_74 = arith.andi %iota3A_65, %and3A_73 : vector<1x64xi32>
    %add3A_75 = arith.addi %add3A_71, %and3A_74 : vector<1x64xi32>
    %transpose3A_76 = tpu.transpose %broadcast_in_dim3A_37, [1, 0] : vector<1x16xi32> -> vector<16x1xi32>
    %add3A_77 = arith.constant 0 : i32
    %add3A_78 = vector.broadcast %add3A_77 : i32 to vector<16x1xi32>
    %add3A_79 = arith.addi %transpose3A_76, %add3A_78 : vector<16x1xi32>
    %mul3A = arith.constant 128 : i32
    %mul3A_80 = vector.broadcast %mul3A : i32 to vector<16x1xi32>
    %mul3A_81 = arith.muli %mul3A_80, %add3A_79 : vector<16x1xi32>
    %add3A_82 = vector.broadcast %mul3A_81 : vector<16x1xi32> to vector<16x64xi32>
    %add3A_83 = vector.broadcast %add3A_75 : vector<1x64xi32> to vector<16x64xi32>
    %add3A_84 = arith.addi %add3A_82, %add3A_83 : vector<16x64xi32>
    %swap3A_85 = arith.constant 0 : index
    %swap3A_86 = arith.constant 0 : index
    %swap3A_87 = vector.load %arg5[%swap3A_85, %swap3A_86] : memref<64x64xi32, #tpu.memory_space<vmem>>, vector<16x64xi32>
    tpu.vector_store %arg5[%swap3A_85, %swap3A_86], %add3A_84 {strides = array<i32>} : memref<64x64xi32, #tpu.memory_space<vmem>>, vector<16x64xi32>,
    %slice3A_88 = vector.extract_strided_slice %broadcast_in_dim3A_10 {offsets = [1, 0, 0], sizes = [1, 200, 1], strides = [1, 1, 1]} : vector<4x200x1xf32> to vector<1x200x1xf32>
    %squeeze3A_89 = vector.shape_cast %slice3A_88 : vector<1x200x1xf32> to vector<200x1xf32>
    %transpose3A_90 = tpu.transpose %squeeze3A_89, [1, 0] : vector<200x1xf32> -> vector<1x200xf32>
    %swap3A_91 = arith.constant 1 : index
    %swap3A_92 = arith.constant 0 : index
    %swap3A_93 = vector.load %arg1[%swap3A_91, %swap3A_92] : memref<4x200xf32, #tpu.memory_space<vmem>>, vector<1x200xf32>
    tpu.vector_store %arg1[%swap3A_91, %swap3A_92], %transpose3A_90 {strides = array<i32>} : memref<4x200xf32, #tpu.memory_space<vmem>>, vector<1x200xf32>,
    %gt3A_94 = vector.broadcast %transpose3A_90 : vector<1x200xf32> to vector<200x200xf32>
    %gt3A_95 = vector.broadcast %squeeze3A_89 : vector<200x1xf32> to vector<200x200xf32>
    %gt3A_96 = arith.cmpf ogt, %gt3A_94, %gt3A_95 : vector<200x200xf32>
    %eq3A_97 = vector.broadcast %transpose3A_90 : vector<1x200xf32> to vector<200x200xf32>
    %eq3A_98 = vector.broadcast %squeeze3A_89 : vector<200x1xf32> to vector<200x200xf32>
    %eq3A_99 = arith.cmpf oeq, %eq3A_97, %eq3A_98 : vector<200x200xf32>
    %lt3A_100 = arith.cmpi slt, %iota3A_16, %iota3A_15 : vector<200x200xi32>
    %and3A_101 = arith.andi %eq3A_99, %lt3A_100 : vector<200x200xi1>
    %or3A_102 = arith.ori %gt3A_96, %and3A_101 : vector<200x200xi1>
    %convert_element_type3A_103 = arith.extui %or3A_102 : vector<200x200xi1> to vector<200x200xi32>
    %reduce_sum3A_104 = arith.constant dense<0> : vector<200xi32>
    %reduce_sum3A_105 = vector.multi_reduction <add>, %convert_element_type3A_103, %reduce_sum3A_104 [1] : vector<200x200xi32> to vector<200xi32>
    %broadcast_in_dim3A_106 = vector.shape_cast %reduce_sum3A_105 : vector<200xi32> to vector<200x1xi32>
    %eq3A_107 = vector.broadcast %broadcast_in_dim3A_106 : vector<200x1xi32> to vector<200x16xi32>
    %eq3A_108 = arith.cmpi eq, %eq3A_107, %iota3A_17 : vector<200x16xi32>
    %jit3A_109 = arith.constant 0 : i32
    %broadcast_in_dim3A_110 = vector.broadcast %jit3A_109 : i32 to vector<200x16xi32>
    %select_n3A_111 = arith.select %eq3A_108, %iota3A_18, %broadcast_in_dim3A_110 : vector<200x16xi1>, vector<200x16xi32>
    %reduce_sum3A_112 = arith.constant dense<0> : vector<16xi32>
    %reduce_sum3A_113 = vector.multi_reduction <add>, %select_n3A_111, %reduce_sum3A_112 [0] : vector<200x16xi32> to vector<16xi32>
    %broadcast_in_dim3A_114 = vector.shape_cast %reduce_sum3A_113 : vector<16xi32> to vector<1x16xi32>
    %jit3A_115 = arith.constant 0.000000e+00 : f32
    %broadcast_in_dim3A_116 = vector.shape_cast %squeeze3A_89 : vector<200x1xf32> to vector<200x1xf32>
    %broadcast_in_dim3A_117 = vector.broadcast %broadcast_in_dim3A_116 : vector<200x1xf32> to vector<200x16xf32>
    %broadcast_in_dim3A_118 = vector.broadcast %jit3A_115 : f32 to vector<200x16xf32>
    %select_n3A_119 = arith.select %eq3A_108, %broadcast_in_dim3A_117, %broadcast_in_dim3A_118 : vector<200x16xi1>, vector<200x16xf32>
    %reduce_sum3A_120 = arith.constant dense<0.000000e+00> : vector<16xf32>
    %reduce_sum3A_121 = vector.multi_reduction <add>, %select_n3A_119, %reduce_sum3A_120 [0] : vector<200x16xf32> to vector<16xf32>
    %broadcast_in_dim3A_122 = vector.shape_cast %reduce_sum3A_121 : vector<16xf32> to vector<1x16xf32>
    %swap3A_123 = arith.constant 1 : index
    %swap3A_124 = arith.constant 0 : index
    %swap3A_125 = vector.load %arg2[%swap3A_123, %swap3A_124] : memref<4x16xf32, #tpu.memory_space<vmem>>, vector<1x16xf32>
    tpu.vector_store %arg2[%swap3A_123, %swap3A_124], %broadcast_in_dim3A_122 {strides = array<i32>} : memref<4x16xf32, #tpu.memory_space<vmem>>, vector<1x16xf32>,
    %swap3A_126 = arith.constant 1 : index
    %swap3A_127 = arith.constant 0 : index
    %swap3A_128 = vector.load %arg3[%swap3A_126, %swap3A_127] : memref<4x16xi32, #tpu.memory_space<vmem>>, vector<1x16xi32>
    tpu.vector_store %arg3[%swap3A_126, %swap3A_127], %broadcast_in_dim3A_114 {strides = array<i32>} : memref<4x16xi32, #tpu.memory_space<vmem>>, vector<1x16xi32>,
    %slice3A_129 = vector.extract_strided_slice %broadcast_in_dim3A_14 {offsets = [1, 0, 0], sizes = [1, 200, 1], strides = [1, 1, 1]} : vector<4x200x1xi32> to vector<1x200x1xi32>
    %squeeze3A_130 = vector.shape_cast %slice3A_129 : vector<1x200x1xi32> to vector<200x1xi32>
    %jit3A_131 = arith.constant 0 : i32
    %broadcast_in_dim3A_132 = vector.shape_cast %squeeze3A_130 : vector<200x1xi32> to vector<200x1xi32>
    %broadcast_in_dim3A_133 = vector.broadcast %broadcast_in_dim3A_132 : vector<200x1xi32> to vector<200x16xi32>
    %broadcast_in_dim3A_134 = vector.broadcast %jit3A_131 : i32 to vector<200x16xi32>
    %select_n3A_135 = arith.select %eq3A_108, %broadcast_in_dim3A_133, %broadcast_in_dim3A_134 : vector<200x16xi1>, vector<200x16xi32>
    %reduce_sum3A_136 = arith.constant dense<0> : vector<16xi32>
    %reduce_sum3A_137 = vector.multi_reduction <add>, %select_n3A_135, %reduce_sum3A_136 [0] : vector<200x16xi32> to vector<16xi32>
    %broadcast_in_dim3A_138 = vector.shape_cast %reduce_sum3A_137 : vector<16xi32> to vector<1x16xi32>
    %swap3A_139 = arith.constant 1 : index
    %swap3A_140 = arith.constant 0 : index
    %swap3A_141 = vector.load %arg4[%swap3A_139, %swap3A_140] : memref<4x16xi32, #tpu.memory_space<vmem>>, vector<1x16xi32>
    tpu.vector_store %arg4[%swap3A_139, %swap3A_140], %broadcast_in_dim3A_138 {strides = array<i32>} : memref<4x16xi32, #tpu.memory_space<vmem>>, vector<1x16xi32>,
    %iota3A_142 = tpu.iota {dimensions = array<i32: 1>} : vector<1x64xi32>
    %shift_right_arithmetic3A_143 = arith.constant 1 : i32
    %shift_right_arithmetic3A_144 = vector.broadcast %shift_right_arithmetic3A_143 : i32 to vector<1x64xi32>
    %shift_right_arithmetic3A_145 = arith.shrsi %iota3A_142, %shift_right_arithmetic3A_144 : vector<1x64xi32>
    %shift_left3A_146 = arith.constant 2 : i32
    %shift_left3A_147 = vector.broadcast %shift_left3A_146 : i32 to vector<1x64xi32>
    %shift_left3A_148 = arith.shli %shift_right_arithmetic3A_145, %shift_left3A_147 : vector<1x64xi32>
    %add3A_149 = arith.constant 1 : i32
    %add3A_150 = vector.broadcast %add3A_149 : i32 to vector<1x64xi32>
    %add3A_151 = arith.addi %shift_left3A_148, %add3A_150 : vector<1x64xi32>
    %and3A_152 = arith.constant 1 : i32
    %and3A_153 = vector.broadcast %and3A_152 : i32 to vector<1x64xi32>
    %and3A_154 = arith.andi %iota3A_142, %and3A_153 : vector<1x64xi32>
    %add3A_155 = arith.addi %add3A_151, %and3A_154 : vector<1x64xi32>
    %transpose3A_156 = tpu.transpose %broadcast_in_dim3A_114, [1, 0] : vector<1x16xi32> -> vector<16x1xi32>
    %add3A_157 = arith.constant 200 : i32
    %add3A_158 = vector.broadcast %add3A_157 : i32 to vector<16x1xi32>
    %add3A_159 = arith.addi %transpose3A_156, %add3A_158 : vector<16x1xi32>
    %mul3A_160 = arith.constant 128 : i32
    %mul3A_161 = vector.broadcast %mul3A_160 : i32 to vector<16x1xi32>
    %mul3A_162 = arith.muli %mul3A_161, %add3A_159 : vector<16x1xi32>
    %add3A_163 = vector.broadcast %mul3A_162 : vector<16x1xi32> to vector<16x64xi32>
    %add3A_164 = vector.broadcast %add3A_155 : vector<1x64xi32> to vector<16x64xi32>
    %add3A_165 = arith.addi %add3A_163, %add3A_164 : vector<16x64xi32>
    %swap3A_166 = arith.constant 16 : index
    %swap3A_167 = arith.constant 0 : index
    %swap3A_168 = vector.load %arg5[%swap3A_166, %swap3A_167] : memref<64x64xi32, #tpu.memory_space<vmem>>, vector<16x64xi32>
    tpu.vector_store %arg5[%swap3A_166, %swap3A_167], %add3A_165 {strides = array<i32>} : memref<64x64xi32, #tpu.memory_space<vmem>>, vector<16x64xi32>,
    %slice3A_169 = vector.extract_strided_slice %broadcast_in_dim3A_10 {offsets = [2, 0, 0], sizes = [1, 200, 1], strides = [1, 1, 1]} : vector<4x200x1xf32> to vector<1x200x1xf32>
    %squeeze3A_170 = vector.shape_cast %slice3A_169 : vector<1x200x1xf32> to vector<200x1xf32>
    %transpose3A_171 = tpu.transpose %squeeze3A_170, [1, 0] : vector<200x1xf32> -> vector<1x200xf32>
    %swap3A_172 = arith.constant 2 : index
    %swap3A_173 = arith.constant 0 : index
    %swap3A_174 = vector.load %arg1[%swap3A_172, %swap3A_173] : memref<4x200xf32, #tpu.memory_space<vmem>>, vector<1x200xf32>
    tpu.vector_store %arg1[%swap3A_172, %swap3A_173], %transpose3A_171 {strides = array<i32>} : memref<4x200xf32, #tpu.memory_space<vmem>>, vector<1x200xf32>,
    %gt3A_175 = vector.broadcast %transpose3A_171 : vector<1x200xf32> to vector<200x200xf32>
    %gt3A_176 = vector.broadcast %squeeze3A_170 : vector<200x1xf32> to vector<200x200xf32>
    %gt3A_177 = arith.cmpf ogt, %gt3A_175, %gt3A_176 : vector<200x200xf32>
    %eq3A_178 = vector.broadcast %transpose3A_171 : vector<1x200xf32> to vector<200x200xf32>
    %eq3A_179 = vector.broadcast %squeeze3A_170 : vector<200x1xf32> to vector<200x200xf32>
    %eq3A_180 = arith.cmpf oeq, %eq3A_178, %eq3A_179 : vector<200x200xf32>
    %lt3A_181 = arith.cmpi slt, %iota3A_16, %iota3A_15 : vector<200x200xi32>
    %and3A_182 = arith.andi %eq3A_180, %lt3A_181 : vector<200x200xi1>
    %or3A_183 = arith.ori %gt3A_177, %and3A_182 : vector<200x200xi1>
    %convert_element_type3A_184 = arith.extui %or3A_183 : vector<200x200xi1> to vector<200x200xi32>
    %reduce_sum3A_185 = arith.constant dense<0> : vector<200xi32>
    %reduce_sum3A_186 = vector.multi_reduction <add>, %convert_element_type3A_184, %reduce_sum3A_185 [1] : vector<200x200xi32> to vector<200xi32>
    %broadcast_in_dim3A_187 = vector.shape_cast %reduce_sum3A_186 : vector<200xi32> to vector<200x1xi32>
    %eq3A_188 = vector.broadcast %broadcast_in_dim3A_187 : vector<200x1xi32> to vector<200x16xi32>
    %eq3A_189 = arith.cmpi eq, %eq3A_188, %iota3A_17 : vector<200x16xi32>
    %jit3A_190 = arith.constant 0 : i32
    %broadcast_in_dim3A_191 = vector.broadcast %jit3A_190 : i32 to vector<200x16xi32>
    %select_n3A_192 = arith.select %eq3A_189, %iota3A_18, %broadcast_in_dim3A_191 : vector<200x16xi1>, vector<200x16xi32>
    %reduce_sum3A_193 = arith.constant dense<0> : vector<16xi32>
    %reduce_sum3A_194 = vector.multi_reduction <add>, %select_n3A_192, %reduce_sum3A_193 [0] : vector<200x16xi32> to vector<16xi32>
    %broadcast_in_dim3A_195 = vector.shape_cast %reduce_sum3A_194 : vector<16xi32> to vector<1x16xi32>
    %jit3A_196 = arith.constant 0.000000e+00 : f32
    %broadcast_in_dim3A_197 = vector.shape_cast %squeeze3A_170 : vector<200x1xf32> to vector<200x1xf32>
    %broadcast_in_dim3A_198 = vector.broadcast %broadcast_in_dim3A_197 : vector<200x1xf32> to vector<200x16xf32>
    %broadcast_in_dim3A_199 = vector.broadcast %jit3A_196 : f32 to vector<200x16xf32>
    %select_n3A_200 = arith.select %eq3A_189, %broadcast_in_dim3A_198, %broadcast_in_dim3A_199 : vector<200x16xi1>, vector<200x16xf32>
    %reduce_sum3A_201 = arith.constant dense<0.000000e+00> : vector<16xf32>
    %reduce_sum3A_202 = vector.multi_reduction <add>, %select_n3A_200, %reduce_sum3A_201 [0] : vector<200x16xf32> to vector<16xf32>
    %broadcast_in_dim3A_203 = vector.shape_cast %reduce_sum3A_202 : vector<16xf32> to vector<1x16xf32>
    %swap3A_204 = arith.constant 2 : index
    %swap3A_205 = arith.constant 0 : index
    %swap3A_206 = vector.load %arg2[%swap3A_204, %swap3A_205] : memref<4x16xf32, #tpu.memory_space<vmem>>, vector<1x16xf32>
    tpu.vector_store %arg2[%swap3A_204, %swap3A_205], %broadcast_in_dim3A_203 {strides = array<i32>} : memref<4x16xf32, #tpu.memory_space<vmem>>, vector<1x16xf32>,
    %swap3A_207 = arith.constant 2 : index
    %swap3A_208 = arith.constant 0 : index
    %swap3A_209 = vector.load %arg3[%swap3A_207, %swap3A_208] : memref<4x16xi32, #tpu.memory_space<vmem>>, vector<1x16xi32>
    tpu.vector_store %arg3[%swap3A_207, %swap3A_208], %broadcast_in_dim3A_195 {strides = array<i32>} : memref<4x16xi32, #tpu.memory_space<vmem>>, vector<1x16xi32>,
    %slice3A_210 = vector.extract_strided_slice %broadcast_in_dim3A_14 {offsets = [2, 0, 0], sizes = [1, 200, 1], strides = [1, 1, 1]} : vector<4x200x1xi32> to vector<1x200x1xi32>
    %squeeze3A_211 = vector.shape_cast %slice3A_210 : vector<1x200x1xi32> to vector<200x1xi32>
    %jit3A_212 = arith.constant 0 : i32
    %broadcast_in_dim3A_213 = vector.shape_cast %squeeze3A_211 : vector<200x1xi32> to vector<200x1xi32>
    %broadcast_in_dim3A_214 = vector.broadcast %broadcast_in_dim3A_213 : vector<200x1xi32> to vector<200x16xi32>
    %broadcast_in_dim3A_215 = vector.broadcast %jit3A_212 : i32 to vector<200x16xi32>
    %select_n3A_216 = arith.select %eq3A_189, %broadcast_in_dim3A_214, %broadcast_in_dim3A_215 : vector<200x16xi1>, vector<200x16xi32>
    %reduce_sum3A_217 = arith.constant dense<0> : vector<16xi32>
    %reduce_sum3A_218 = vector.multi_reduction <add>, %select_n3A_216, %reduce_sum3A_217 [0] : vector<200x16xi32> to vector<16xi32>
    %broadcast_in_dim3A_219 = vector.shape_cast %reduce_sum3A_218 : vector<16xi32> to vector<1x16xi32>
    %swap3A_220 = arith.constant 2 : index
    %swap3A_221 = arith.constant 0 : index
    %swap3A_222 = vector.load %arg4[%swap3A_220, %swap3A_221] : memref<4x16xi32, #tpu.memory_space<vmem>>, vector<1x16xi32>
    tpu.vector_store %arg4[%swap3A_220, %swap3A_221], %broadcast_in_dim3A_219 {strides = array<i32>} : memref<4x16xi32, #tpu.memory_space<vmem>>, vector<1x16xi32>,
    %iota3A_223 = tpu.iota {dimensions = array<i32: 1>} : vector<1x64xi32>
    %shift_right_arithmetic3A_224 = arith.constant 1 : i32
    %shift_right_arithmetic3A_225 = vector.broadcast %shift_right_arithmetic3A_224 : i32 to vector<1x64xi32>
    %shift_right_arithmetic3A_226 = arith.shrsi %iota3A_223, %shift_right_arithmetic3A_225 : vector<1x64xi32>
    %shift_left3A_227 = arith.constant 2 : i32
    %shift_left3A_228 = vector.broadcast %shift_left3A_227 : i32 to vector<1x64xi32>
    %shift_left3A_229 = arith.shli %shift_right_arithmetic3A_226, %shift_left3A_228 : vector<1x64xi32>
    %add3A_230 = arith.constant 1 : i32
    %add3A_231 = vector.broadcast %add3A_230 : i32 to vector<1x64xi32>
    %add3A_232 = arith.addi %shift_left3A_229, %add3A_231 : vector<1x64xi32>
    %and3A_233 = arith.constant 1 : i32
    %and3A_234 = vector.broadcast %and3A_233 : i32 to vector<1x64xi32>
    %and3A_235 = arith.andi %iota3A_223, %and3A_234 : vector<1x64xi32>
    %add3A_236 = arith.addi %add3A_232, %and3A_235 : vector<1x64xi32>
    %transpose3A_237 = tpu.transpose %broadcast_in_dim3A_195, [1, 0] : vector<1x16xi32> -> vector<16x1xi32>
    %add3A_238 = arith.constant 400 : i32
    %add3A_239 = vector.broadcast %add3A_238 : i32 to vector<16x1xi32>
    %add3A_240 = arith.addi %transpose3A_237, %add3A_239 : vector<16x1xi32>
    %mul3A_241 = arith.constant 128 : i32
    %mul3A_242 = vector.broadcast %mul3A_241 : i32 to vector<16x1xi32>
    %mul3A_243 = arith.muli %mul3A_242, %add3A_240 : vector<16x1xi32>
    %add3A_244 = vector.broadcast %mul3A_243 : vector<16x1xi32> to vector<16x64xi32>
    %add3A_245 = vector.broadcast %add3A_236 : vector<1x64xi32> to vector<16x64xi32>
    %add3A_246 = arith.addi %add3A_244, %add3A_245 : vector<16x64xi32>
    %swap3A_247 = arith.constant 32 : index
    %swap3A_248 = arith.constant 0 : index
    %swap3A_249 = vector.load %arg5[%swap3A_247, %swap3A_248] : memref<64x64xi32, #tpu.memory_space<vmem>>, vector<16x64xi32>
    tpu.vector_store %arg5[%swap3A_247, %swap3A_248], %add3A_246 {strides = array<i32>} : memref<64x64xi32, #tpu.memory_space<vmem>>, vector<16x64xi32>,
    %slice3A_250 = vector.extract_strided_slice %broadcast_in_dim3A_10 {offsets = [3, 0, 0], sizes = [1, 200, 1], strides = [1, 1, 1]} : vector<4x200x1xf32> to vector<1x200x1xf32>
    %squeeze3A_251 = vector.shape_cast %slice3A_250 : vector<1x200x1xf32> to vector<200x1xf32>
    %transpose3A_252 = tpu.transpose %squeeze3A_251, [1, 0] : vector<200x1xf32> -> vector<1x200xf32>
    %swap3A_253 = arith.constant 3 : index
    %swap3A_254 = arith.constant 0 : index
    %swap3A_255 = vector.load %arg1[%swap3A_253, %swap3A_254] : memref<4x200xf32, #tpu.memory_space<vmem>>, vector<1x200xf32>
    tpu.vector_store %arg1[%swap3A_253, %swap3A_254], %transpose3A_252 {strides = array<i32>} : memref<4x200xf32, #tpu.memory_space<vmem>>, vector<1x200xf32>,
    %gt3A_256 = vector.broadcast %transpose3A_252 : vector<1x200xf32> to vector<200x200xf32>
    %gt3A_257 = vector.broadcast %squeeze3A_251 : vector<200x1xf32> to vector<200x200xf32>
    %gt3A_258 = arith.cmpf ogt, %gt3A_256, %gt3A_257 : vector<200x200xf32>
    %eq3A_259 = vector.broadcast %transpose3A_252 : vector<1x200xf32> to vector<200x200xf32>
    %eq3A_260 = vector.broadcast %squeeze3A_251 : vector<200x1xf32> to vector<200x200xf32>
    %eq3A_261 = arith.cmpf oeq, %eq3A_259, %eq3A_260 : vector<200x200xf32>
    %lt3A_262 = arith.cmpi slt, %iota3A_16, %iota3A_15 : vector<200x200xi32>
    %and3A_263 = arith.andi %eq3A_261, %lt3A_262 : vector<200x200xi1>
    %or3A_264 = arith.ori %gt3A_258, %and3A_263 : vector<200x200xi1>
    %convert_element_type3A_265 = arith.extui %or3A_264 : vector<200x200xi1> to vector<200x200xi32>
    %reduce_sum3A_266 = arith.constant dense<0> : vector<200xi32>
    %reduce_sum3A_267 = vector.multi_reduction <add>, %convert_element_type3A_265, %reduce_sum3A_266 [1] : vector<200x200xi32> to vector<200xi32>
    %broadcast_in_dim3A_268 = vector.shape_cast %reduce_sum3A_267 : vector<200xi32> to vector<200x1xi32>
    %eq3A_269 = vector.broadcast %broadcast_in_dim3A_268 : vector<200x1xi32> to vector<200x16xi32>
    %eq3A_270 = arith.cmpi eq, %eq3A_269, %iota3A_17 : vector<200x16xi32>
    %jit3A_271 = arith.constant 0 : i32
    %broadcast_in_dim3A_272 = vector.broadcast %jit3A_271 : i32 to vector<200x16xi32>
    %select_n3A_273 = arith.select %eq3A_270, %iota3A_18, %broadcast_in_dim3A_272 : vector<200x16xi1>, vector<200x16xi32>
    %reduce_sum3A_274 = arith.constant dense<0> : vector<16xi32>
    %reduce_sum3A_275 = vector.multi_reduction <add>, %select_n3A_273, %reduce_sum3A_274 [0] : vector<200x16xi32> to vector<16xi32>
    %broadcast_in_dim3A_276 = vector.shape_cast %reduce_sum3A_275 : vector<16xi32> to vector<1x16xi32>
    %jit3A_277 = arith.constant 0.000000e+00 : f32
    %broadcast_in_dim3A_278 = vector.shape_cast %squeeze3A_251 : vector<200x1xf32> to vector<200x1xf32>
    %broadcast_in_dim3A_279 = vector.broadcast %broadcast_in_dim3A_278 : vector<200x1xf32> to vector<200x16xf32>
    %broadcast_in_dim3A_280 = vector.broadcast %jit3A_277 : f32 to vector<200x16xf32>
    %select_n3A_281 = arith.select %eq3A_270, %broadcast_in_dim3A_279, %broadcast_in_dim3A_280 : vector<200x16xi1>, vector<200x16xf32>
    %reduce_sum3A_282 = arith.constant dense<0.000000e+00> : vector<16xf32>
    %reduce_sum3A_283 = vector.multi_reduction <add>, %select_n3A_281, %reduce_sum3A_282 [0] : vector<200x16xf32> to vector<16xf32>
    %broadcast_in_dim3A_284 = vector.shape_cast %reduce_sum3A_283 : vector<16xf32> to vector<1x16xf32>
    %swap3A_285 = arith.constant 3 : index
    %swap3A_286 = arith.constant 0 : index
    %swap3A_287 = vector.load %arg2[%swap3A_285, %swap3A_286] : memref<4x16xf32, #tpu.memory_space<vmem>>, vector<1x16xf32>
    tpu.vector_store %arg2[%swap3A_285, %swap3A_286], %broadcast_in_dim3A_284 {strides = array<i32>} : memref<4x16xf32, #tpu.memory_space<vmem>>, vector<1x16xf32>,
    %swap3A_288 = arith.constant 3 : index
    %swap3A_289 = arith.constant 0 : index
    %swap3A_290 = vector.load %arg3[%swap3A_288, %swap3A_289] : memref<4x16xi32, #tpu.memory_space<vmem>>, vector<1x16xi32>
    tpu.vector_store %arg3[%swap3A_288, %swap3A_289], %broadcast_in_dim3A_276 {strides = array<i32>} : memref<4x16xi32, #tpu.memory_space<vmem>>, vector<1x16xi32>,
    %slice3A_291 = vector.extract_strided_slice %broadcast_in_dim3A_14 {offsets = [3, 0, 0], sizes = [1, 200, 1], strides = [1, 1, 1]} : vector<4x200x1xi32> to vector<1x200x1xi32>
    %squeeze3A_292 = vector.shape_cast %slice3A_291 : vector<1x200x1xi32> to vector<200x1xi32>
    %jit3A_293 = arith.constant 0 : i32
    %broadcast_in_dim3A_294 = vector.shape_cast %squeeze3A_292 : vector<200x1xi32> to vector<200x1xi32>
    %broadcast_in_dim3A_295 = vector.broadcast %broadcast_in_dim3A_294 : vector<200x1xi32> to vector<200x16xi32>
    %broadcast_in_dim3A_296 = vector.broadcast %jit3A_293 : i32 to vector<200x16xi32>
    %select_n3A_297 = arith.select %eq3A_270, %broadcast_in_dim3A_295, %broadcast_in_dim3A_296 : vector<200x16xi1>, vector<200x16xi32>
    %reduce_sum3A_298 = arith.constant dense<0> : vector<16xi32>
    %reduce_sum3A_299 = vector.multi_reduction <add>, %select_n3A_297, %reduce_sum3A_298 [0] : vector<200x16xi32> to vector<16xi32>
    %broadcast_in_dim3A_300 = vector.shape_cast %reduce_sum3A_299 : vector<16xi32> to vector<1x16xi32>
    %swap3A_301 = arith.constant 3 : index
    %swap3A_302 = arith.constant 0 : index
    %swap3A_303 = vector.load %arg4[%swap3A_301, %swap3A_302] : memref<4x16xi32, #tpu.memory_space<vmem>>, vector<1x16xi32>
    tpu.vector_store %arg4[%swap3A_301, %swap3A_302], %broadcast_in_dim3A_300 {strides = array<i32>} : memref<4x16xi32, #tpu.memory_space<vmem>>, vector<1x16xi32>,
    %iota3A_304 = tpu.iota {dimensions = array<i32: 1>} : vector<1x64xi32>
    %shift_right_arithmetic3A_305 = arith.constant 1 : i32
    %shift_right_arithmetic3A_306 = vector.broadcast %shift_right_arithmetic3A_305 : i32 to vector<1x64xi32>
    %shift_right_arithmetic3A_307 = arith.shrsi %iota3A_304, %shift_right_arithmetic3A_306 : vector<1x64xi32>
    %shift_left3A_308 = arith.constant 2 : i32
    %shift_left3A_309 = vector.broadcast %shift_left3A_308 : i32 to vector<1x64xi32>
    %shift_left3A_310 = arith.shli %shift_right_arithmetic3A_307, %shift_left3A_309 : vector<1x64xi32>
    %add3A_311 = arith.constant 1 : i32
    %add3A_312 = vector.broadcast %add3A_311 : i32 to vector<1x64xi32>
    %add3A_313 = arith.addi %shift_left3A_310, %add3A_312 : vector<1x64xi32>
    %and3A_314 = arith.constant 1 : i32
    %and3A_315 = vector.broadcast %and3A_314 : i32 to vector<1x64xi32>
    %and3A_316 = arith.andi %iota3A_304, %and3A_315 : vector<1x64xi32>
    %add3A_317 = arith.addi %add3A_313, %and3A_316 : vector<1x64xi32>
    %transpose3A_318 = tpu.transpose %broadcast_in_dim3A_276, [1, 0] : vector<1x16xi32> -> vector<16x1xi32>
    %add3A_319 = arith.constant 600 : i32
    %add3A_320 = vector.broadcast %add3A_319 : i32 to vector<16x1xi32>
    %add3A_321 = arith.addi %transpose3A_318, %add3A_320 : vector<16x1xi32>
    %mul3A_322 = arith.constant 128 : i32
    %mul3A_323 = vector.broadcast %mul3A_322 : i32 to vector<16x1xi32>
    %mul3A_324 = arith.muli %mul3A_323, %add3A_321 : vector<16x1xi32>
    %add3A_325 = vector.broadcast %mul3A_324 : vector<16x1xi32> to vector<16x64xi32>
    %add3A_326 = vector.broadcast %add3A_317 : vector<1x64xi32> to vector<16x64xi32>
    %add3A_327 = arith.addi %add3A_325, %add3A_326 : vector<16x64xi32>
    %swap3A_328 = arith.constant 48 : index
    %swap3A_329 = arith.constant 0 : index
    %swap3A_330 = vector.load %arg5[%swap3A_328, %swap3A_329] : memref<64x64xi32, #tpu.memory_space<vmem>>, vector<16x64xi32>
    tpu.vector_store %arg5[%swap3A_328, %swap3A_329], %add3A_327 {strides = array<i32>} : memref<64x64xi32, #tpu.memory_space<vmem>>, vector<16x64xi32>,
    return
  }
}

module attributes {stable_mosaic.version = 14 : i64} {
  func.func @_pool_body(%arg0: i32, %arg1: memref<1x1024x128xf32, #tpu.memory_space<vmem>>, %arg2: memref<1x1024x768xf32, #tpu.memory_space<vmem>>, %arg3: memref<1x16x768xf32, #tpu.memory_space<vmem>>, %arg4: memref<32x16x32xf32, #tpu.memory_space<vmem>>) attributes {dimension_semantics = [#tpu.dimension_semantics<arbitrary>], iteration_bounds = array<i64: 4>, scalar_prefetch = 0 : i64, scratch_operands = 1 : i64, tpu.core_type = #tpu.core_type<tc>, window_params = [{transform_indices = @transform_0, window_bounds = array<i64: 1, 1024, 128>}, {transform_indices = @transform_1, window_bounds = array<i64: 1, 1024, 768>}, {transform_indices = @transform_2, window_bounds = array<i64: 1, 16, 768>}]} {
    %get3A = arith.constant 0 : index
    %get3A_0 = arith.constant 0 : index
    %get3A_1 = arith.constant 0 : index
    %get3A_2 = vector.load %arg1[%get3A, %get3A_0, %get3A_1] : memref<1x1024x128xf32, #tpu.memory_space<vmem>>, vector<1x1024x128xf32>
    %get3A_3 = vector.shape_cast %get3A_2 : vector<1x1024x128xf32> to vector<1024x128xf32>
    %reshape3A = vector.shape_cast %get3A_3 : vector<1024x128xf32> to vector<512x2x128xf32>
    %slice3A = vector.extract_strided_slice %reshape3A {offsets = [0, 0, 0], sizes = [512, 1, 128], strides = [1, 1, 1]} : vector<512x2x128xf32> to vector<512x1x128xf32>
    %squeeze3A = vector.shape_cast %slice3A : vector<512x1x128xf32> to vector<512x128xf32>
    %slice3A_4 = vector.extract_strided_slice %reshape3A {offsets = [0, 1, 0], sizes = [512, 1, 128], strides = [1, 1, 1]} : vector<512x2x128xf32> to vector<512x1x128xf32>
    %squeeze3A_5 = vector.shape_cast %slice3A_4 : vector<512x1x128xf32> to vector<512x128xf32>
    %add3A = arith.addf %squeeze3A, %squeeze3A_5 : vector<512x128xf32>
    %iota3A = tpu.iota {dimensions = array<i32: 0>} : vector<128x32xi32>
    %iota3A_6 = tpu.iota {dimensions = array<i32: 1>} : vector<128x32xi32>
    %mul3A = arith.constant 4 : i32
    %mul3A_7 = vector.broadcast %mul3A : i32 to vector<128x32xi32>
    %mul3A_8 = arith.muli %mul3A_7, %iota3A_6 : vector<128x32xi32>
    %add3A_9 = arith.constant 1 : i32
    %add3A_10 = vector.broadcast %add3A_9 : i32 to vector<128x32xi32>
    %add3A_11 = arith.addi %mul3A_8, %add3A_10 : vector<128x32xi32>
    %eq3A = arith.cmpi eq, %iota3A, %add3A_11 : vector<128x32xi32>
    %mul3A_12 = arith.constant 4 : i32
    %mul3A_13 = vector.broadcast %mul3A_12 : i32 to vector<128x32xi32>
    %mul3A_14 = arith.muli %mul3A_13, %iota3A_6 : vector<128x32xi32>
    %add3A_15 = arith.constant 2 : i32
    %add3A_16 = vector.broadcast %add3A_15 : i32 to vector<128x32xi32>
    %add3A_17 = arith.addi %mul3A_14, %add3A_16 : vector<128x32xi32>
    %eq3A_18 = arith.cmpi eq, %iota3A, %add3A_17 : vector<128x32xi32>
    %or3A = arith.ori %eq3A, %eq3A_18 : vector<128x32xi1>
    %convert_element_type3A = arith.extui %or3A : vector<128x32xi1> to vector<128x32xi32>
    %convert_element_type3A_19 = arith.sitofp %convert_element_type3A : vector<128x32xi32> to vector<128x32xf32>
    %dot_general3A = arith.constant dense<0.000000e+00> : vector<512x32xf32>
    %dot_general3A_20 = tpu.matmul %add3A, %convert_element_type3A_19, %dot_general3A {dimension_numbers = #tpu.dot_dimension_numbers<[1], [0], [0], [1], [0, 0, 1, 1], [], []>, precision = #tpu.contract_precision<fp32>, transpose_lhs_hint = false} : vector<512x128xf32>, vector<128x32xf32>, vector<512x32xf32> -> vector<512x32xf32>
    %mul3A_21 = arith.constant 2.500000e-01 : f32
    %mul3A_22 = vector.broadcast %mul3A_21 : f32 to vector<512x32xf32>
    %mul3A_23 = arith.mulf %mul3A_22, %dot_general3A_20 : vector<512x32xf32>
    %slice3A_24 = vector.extract_strided_slice %mul3A_23 {offsets = [0, 0], sizes = [32, 32], strides = [1, 1]} : vector<512x32xf32> to vector<32x32xf32>
    %swap3A = arith.constant 0 : index
    %swap3A_25 = arith.constant 0 : index
    %swap3A_26 = arith.constant 0 : index
    %swap3A_27 = vector.load %arg4[%swap3A, %swap3A_25, %swap3A_26] : memref<32x16x32xf32, #tpu.memory_space<vmem>>, vector<32x1x32xf32>
    %swap3A_28 = vector.shape_cast %swap3A_27 : vector<32x1x32xf32> to vector<32x32xf32>
    %swap3A_29 = vector.shape_cast %slice3A_24 : vector<32x32xf32> to vector<32x1x32xf32>
    tpu.vector_store %arg4[%swap3A, %swap3A_25, %swap3A_26], %swap3A_29 {strides = array<i32>} : memref<32x16x32xf32, #tpu.memory_space<vmem>>, vector<32x1x32xf32>,
    %slice3A_30 = vector.extract_strided_slice %mul3A_23 {offsets = [32, 0], sizes = [32, 32], strides = [1, 1]} : vector<512x32xf32> to vector<32x32xf32>
    %swap3A_31 = arith.constant 0 : index
    %swap3A_32 = arith.constant 1 : index
    %swap3A_33 = arith.constant 0 : index
    %swap3A_34 = vector.load %arg4[%swap3A_31, %swap3A_32, %swap3A_33] : memref<32x16x32xf32, #tpu.memory_space<vmem>>, vector<32x1x32xf32>
    %swap3A_35 = vector.shape_cast %swap3A_34 : vector<32x1x32xf32> to vector<32x32xf32>
    %swap3A_36 = vector.shape_cast %slice3A_30 : vector<32x32xf32> to vector<32x1x32xf32>
    tpu.vector_store %arg4[%swap3A_31, %swap3A_32, %swap3A_33], %swap3A_36 {strides = array<i32>} : memref<32x16x32xf32, #tpu.memory_space<vmem>>, vector<32x1x32xf32>,
    %slice3A_37 = vector.extract_strided_slice %mul3A_23 {offsets = [64, 0], sizes = [32, 32], strides = [1, 1]} : vector<512x32xf32> to vector<32x32xf32>
    %swap3A_38 = arith.constant 0 : index
    %swap3A_39 = arith.constant 2 : index
    %swap3A_40 = arith.constant 0 : index
    %swap3A_41 = vector.load %arg4[%swap3A_38, %swap3A_39, %swap3A_40] : memref<32x16x32xf32, #tpu.memory_space<vmem>>, vector<32x1x32xf32>
    %swap3A_42 = vector.shape_cast %swap3A_41 : vector<32x1x32xf32> to vector<32x32xf32>
    %swap3A_43 = vector.shape_cast %slice3A_37 : vector<32x32xf32> to vector<32x1x32xf32>
    tpu.vector_store %arg4[%swap3A_38, %swap3A_39, %swap3A_40], %swap3A_43 {strides = array<i32>} : memref<32x16x32xf32, #tpu.memory_space<vmem>>, vector<32x1x32xf32>,
    %slice3A_44 = vector.extract_strided_slice %mul3A_23 {offsets = [96, 0], sizes = [32, 32], strides = [1, 1]} : vector<512x32xf32> to vector<32x32xf32>
    %swap3A_45 = arith.constant 0 : index
    %swap3A_46 = arith.constant 3 : index
    %swap3A_47 = arith.constant 0 : index
    %swap3A_48 = vector.load %arg4[%swap3A_45, %swap3A_46, %swap3A_47] : memref<32x16x32xf32, #tpu.memory_space<vmem>>, vector<32x1x32xf32>
    %swap3A_49 = vector.shape_cast %swap3A_48 : vector<32x1x32xf32> to vector<32x32xf32>
    %swap3A_50 = vector.shape_cast %slice3A_44 : vector<32x32xf32> to vector<32x1x32xf32>
    tpu.vector_store %arg4[%swap3A_45, %swap3A_46, %swap3A_47], %swap3A_50 {strides = array<i32>} : memref<32x16x32xf32, #tpu.memory_space<vmem>>, vector<32x1x32xf32>,
    %slice3A_51 = vector.extract_strided_slice %mul3A_23 {offsets = [128, 0], sizes = [32, 32], strides = [1, 1]} : vector<512x32xf32> to vector<32x32xf32>
    %swap3A_52 = arith.constant 0 : index
    %swap3A_53 = arith.constant 4 : index
    %swap3A_54 = arith.constant 0 : index
    %swap3A_55 = vector.load %arg4[%swap3A_52, %swap3A_53, %swap3A_54] : memref<32x16x32xf32, #tpu.memory_space<vmem>>, vector<32x1x32xf32>
    %swap3A_56 = vector.shape_cast %swap3A_55 : vector<32x1x32xf32> to vector<32x32xf32>
    %swap3A_57 = vector.shape_cast %slice3A_51 : vector<32x32xf32> to vector<32x1x32xf32>
    tpu.vector_store %arg4[%swap3A_52, %swap3A_53, %swap3A_54], %swap3A_57 {strides = array<i32>} : memref<32x16x32xf32, #tpu.memory_space<vmem>>, vector<32x1x32xf32>,
    %slice3A_58 = vector.extract_strided_slice %mul3A_23 {offsets = [160, 0], sizes = [32, 32], strides = [1, 1]} : vector<512x32xf32> to vector<32x32xf32>
    %swap3A_59 = arith.constant 0 : index
    %swap3A_60 = arith.constant 5 : index
    %swap3A_61 = arith.constant 0 : index
    %swap3A_62 = vector.load %arg4[%swap3A_59, %swap3A_60, %swap3A_61] : memref<32x16x32xf32, #tpu.memory_space<vmem>>, vector<32x1x32xf32>
    %swap3A_63 = vector.shape_cast %swap3A_62 : vector<32x1x32xf32> to vector<32x32xf32>
    %swap3A_64 = vector.shape_cast %slice3A_58 : vector<32x32xf32> to vector<32x1x32xf32>
    tpu.vector_store %arg4[%swap3A_59, %swap3A_60, %swap3A_61], %swap3A_64 {strides = array<i32>} : memref<32x16x32xf32, #tpu.memory_space<vmem>>, vector<32x1x32xf32>,
    %slice3A_65 = vector.extract_strided_slice %mul3A_23 {offsets = [192, 0], sizes = [32, 32], strides = [1, 1]} : vector<512x32xf32> to vector<32x32xf32>
    %swap3A_66 = arith.constant 0 : index
    %swap3A_67 = arith.constant 6 : index
    %swap3A_68 = arith.constant 0 : index
    %swap3A_69 = vector.load %arg4[%swap3A_66, %swap3A_67, %swap3A_68] : memref<32x16x32xf32, #tpu.memory_space<vmem>>, vector<32x1x32xf32>
    %swap3A_70 = vector.shape_cast %swap3A_69 : vector<32x1x32xf32> to vector<32x32xf32>
    %swap3A_71 = vector.shape_cast %slice3A_65 : vector<32x32xf32> to vector<32x1x32xf32>
    tpu.vector_store %arg4[%swap3A_66, %swap3A_67, %swap3A_68], %swap3A_71 {strides = array<i32>} : memref<32x16x32xf32, #tpu.memory_space<vmem>>, vector<32x1x32xf32>,
    %slice3A_72 = vector.extract_strided_slice %mul3A_23 {offsets = [224, 0], sizes = [32, 32], strides = [1, 1]} : vector<512x32xf32> to vector<32x32xf32>
    %swap3A_73 = arith.constant 0 : index
    %swap3A_74 = arith.constant 7 : index
    %swap3A_75 = arith.constant 0 : index
    %swap3A_76 = vector.load %arg4[%swap3A_73, %swap3A_74, %swap3A_75] : memref<32x16x32xf32, #tpu.memory_space<vmem>>, vector<32x1x32xf32>
    %swap3A_77 = vector.shape_cast %swap3A_76 : vector<32x1x32xf32> to vector<32x32xf32>
    %swap3A_78 = vector.shape_cast %slice3A_72 : vector<32x32xf32> to vector<32x1x32xf32>
    tpu.vector_store %arg4[%swap3A_73, %swap3A_74, %swap3A_75], %swap3A_78 {strides = array<i32>} : memref<32x16x32xf32, #tpu.memory_space<vmem>>, vector<32x1x32xf32>,
    %slice3A_79 = vector.extract_strided_slice %mul3A_23 {offsets = [256, 0], sizes = [32, 32], strides = [1, 1]} : vector<512x32xf32> to vector<32x32xf32>
    %swap3A_80 = arith.constant 0 : index
    %swap3A_81 = arith.constant 8 : index
    %swap3A_82 = arith.constant 0 : index
    %swap3A_83 = vector.load %arg4[%swap3A_80, %swap3A_81, %swap3A_82] : memref<32x16x32xf32, #tpu.memory_space<vmem>>, vector<32x1x32xf32>
    %swap3A_84 = vector.shape_cast %swap3A_83 : vector<32x1x32xf32> to vector<32x32xf32>
    %swap3A_85 = vector.shape_cast %slice3A_79 : vector<32x32xf32> to vector<32x1x32xf32>
    tpu.vector_store %arg4[%swap3A_80, %swap3A_81, %swap3A_82], %swap3A_85 {strides = array<i32>} : memref<32x16x32xf32, #tpu.memory_space<vmem>>, vector<32x1x32xf32>,
    %slice3A_86 = vector.extract_strided_slice %mul3A_23 {offsets = [288, 0], sizes = [32, 32], strides = [1, 1]} : vector<512x32xf32> to vector<32x32xf32>
    %swap3A_87 = arith.constant 0 : index
    %swap3A_88 = arith.constant 9 : index
    %swap3A_89 = arith.constant 0 : index
    %swap3A_90 = vector.load %arg4[%swap3A_87, %swap3A_88, %swap3A_89] : memref<32x16x32xf32, #tpu.memory_space<vmem>>, vector<32x1x32xf32>
    %swap3A_91 = vector.shape_cast %swap3A_90 : vector<32x1x32xf32> to vector<32x32xf32>
    %swap3A_92 = vector.shape_cast %slice3A_86 : vector<32x32xf32> to vector<32x1x32xf32>
    tpu.vector_store %arg4[%swap3A_87, %swap3A_88, %swap3A_89], %swap3A_92 {strides = array<i32>} : memref<32x16x32xf32, #tpu.memory_space<vmem>>, vector<32x1x32xf32>,
    %slice3A_93 = vector.extract_strided_slice %mul3A_23 {offsets = [320, 0], sizes = [32, 32], strides = [1, 1]} : vector<512x32xf32> to vector<32x32xf32>
    %swap3A_94 = arith.constant 0 : index
    %swap3A_95 = arith.constant 10 : index
    %swap3A_96 = arith.constant 0 : index
    %swap3A_97 = vector.load %arg4[%swap3A_94, %swap3A_95, %swap3A_96] : memref<32x16x32xf32, #tpu.memory_space<vmem>>, vector<32x1x32xf32>
    %swap3A_98 = vector.shape_cast %swap3A_97 : vector<32x1x32xf32> to vector<32x32xf32>
    %swap3A_99 = vector.shape_cast %slice3A_93 : vector<32x32xf32> to vector<32x1x32xf32>
    tpu.vector_store %arg4[%swap3A_94, %swap3A_95, %swap3A_96], %swap3A_99 {strides = array<i32>} : memref<32x16x32xf32, #tpu.memory_space<vmem>>, vector<32x1x32xf32>,
    %slice3A_100 = vector.extract_strided_slice %mul3A_23 {offsets = [352, 0], sizes = [32, 32], strides = [1, 1]} : vector<512x32xf32> to vector<32x32xf32>
    %swap3A_101 = arith.constant 0 : index
    %swap3A_102 = arith.constant 11 : index
    %swap3A_103 = arith.constant 0 : index
    %swap3A_104 = vector.load %arg4[%swap3A_101, %swap3A_102, %swap3A_103] : memref<32x16x32xf32, #tpu.memory_space<vmem>>, vector<32x1x32xf32>
    %swap3A_105 = vector.shape_cast %swap3A_104 : vector<32x1x32xf32> to vector<32x32xf32>
    %swap3A_106 = vector.shape_cast %slice3A_100 : vector<32x32xf32> to vector<32x1x32xf32>
    tpu.vector_store %arg4[%swap3A_101, %swap3A_102, %swap3A_103], %swap3A_106 {strides = array<i32>} : memref<32x16x32xf32, #tpu.memory_space<vmem>>, vector<32x1x32xf32>,
    %slice3A_107 = vector.extract_strided_slice %mul3A_23 {offsets = [384, 0], sizes = [32, 32], strides = [1, 1]} : vector<512x32xf32> to vector<32x32xf32>
    %swap3A_108 = arith.constant 0 : index
    %swap3A_109 = arith.constant 12 : index
    %swap3A_110 = arith.constant 0 : index
    %swap3A_111 = vector.load %arg4[%swap3A_108, %swap3A_109, %swap3A_110] : memref<32x16x32xf32, #tpu.memory_space<vmem>>, vector<32x1x32xf32>
    %swap3A_112 = vector.shape_cast %swap3A_111 : vector<32x1x32xf32> to vector<32x32xf32>
    %swap3A_113 = vector.shape_cast %slice3A_107 : vector<32x32xf32> to vector<32x1x32xf32>
    tpu.vector_store %arg4[%swap3A_108, %swap3A_109, %swap3A_110], %swap3A_113 {strides = array<i32>} : memref<32x16x32xf32, #tpu.memory_space<vmem>>, vector<32x1x32xf32>,
    %slice3A_114 = vector.extract_strided_slice %mul3A_23 {offsets = [416, 0], sizes = [32, 32], strides = [1, 1]} : vector<512x32xf32> to vector<32x32xf32>
    %swap3A_115 = arith.constant 0 : index
    %swap3A_116 = arith.constant 13 : index
    %swap3A_117 = arith.constant 0 : index
    %swap3A_118 = vector.load %arg4[%swap3A_115, %swap3A_116, %swap3A_117] : memref<32x16x32xf32, #tpu.memory_space<vmem>>, vector<32x1x32xf32>
    %swap3A_119 = vector.shape_cast %swap3A_118 : vector<32x1x32xf32> to vector<32x32xf32>
    %swap3A_120 = vector.shape_cast %slice3A_114 : vector<32x32xf32> to vector<32x1x32xf32>
    tpu.vector_store %arg4[%swap3A_115, %swap3A_116, %swap3A_117], %swap3A_120 {strides = array<i32>} : memref<32x16x32xf32, #tpu.memory_space<vmem>>, vector<32x1x32xf32>,
    %slice3A_121 = vector.extract_strided_slice %mul3A_23 {offsets = [448, 0], sizes = [32, 32], strides = [1, 1]} : vector<512x32xf32> to vector<32x32xf32>
    %swap3A_122 = arith.constant 0 : index
    %swap3A_123 = arith.constant 14 : index
    %swap3A_124 = arith.constant 0 : index
    %swap3A_125 = vector.load %arg4[%swap3A_122, %swap3A_123, %swap3A_124] : memref<32x16x32xf32, #tpu.memory_space<vmem>>, vector<32x1x32xf32>
    %swap3A_126 = vector.shape_cast %swap3A_125 : vector<32x1x32xf32> to vector<32x32xf32>
    %swap3A_127 = vector.shape_cast %slice3A_121 : vector<32x32xf32> to vector<32x1x32xf32>
    tpu.vector_store %arg4[%swap3A_122, %swap3A_123, %swap3A_124], %swap3A_127 {strides = array<i32>} : memref<32x16x32xf32, #tpu.memory_space<vmem>>, vector<32x1x32xf32>,
    %slice3A_128 = vector.extract_strided_slice %mul3A_23 {offsets = [480, 0], sizes = [32, 32], strides = [1, 1]} : vector<512x32xf32> to vector<32x32xf32>
    %swap3A_129 = arith.constant 0 : index
    %swap3A_130 = arith.constant 15 : index
    %swap3A_131 = arith.constant 0 : index
    %swap3A_132 = vector.load %arg4[%swap3A_129, %swap3A_130, %swap3A_131] : memref<32x16x32xf32, #tpu.memory_space<vmem>>, vector<32x1x32xf32>
    %swap3A_133 = vector.shape_cast %swap3A_132 : vector<32x1x32xf32> to vector<32x32xf32>
    %swap3A_134 = vector.shape_cast %slice3A_128 : vector<32x32xf32> to vector<32x1x32xf32>
    tpu.vector_store %arg4[%swap3A_129, %swap3A_130, %swap3A_131], %swap3A_134 {strides = array<i32>} : memref<32x16x32xf32, #tpu.memory_space<vmem>>, vector<32x1x32xf32>,
    %broadcast_in_dim3A = arith.constant 0.000000e+00 : f32
    %broadcast_in_dim3A_135 = vector.broadcast %broadcast_in_dim3A : f32 to vector<16x768xf32>
    %broadcast_in_dim3A_136 = arith.constant 0.000000e+00 : f32
    %broadcast_in_dim3A_137 = vector.broadcast %broadcast_in_dim3A_136 : f32 to vector<16x1xf32>
    %get3A_138 = arith.constant 0 : index
    %get3A_139 = arith.constant 0 : index
    %get3A_140 = arith.constant 0 : index
    %get3A_141 = vector.load %arg4[%get3A_138, %get3A_139, %get3A_140] : memref<32x16x32xf32, #tpu.memory_space<vmem>>, vector<1x16x32xf32>
    %get3A_142 = vector.shape_cast %get3A_141 : vector<1x16x32xf32> to vector<16x32xf32>
    %get3A_143 = arith.constant 0 : index
    %get3A_144 = arith.constant 0 : index
    %get3A_145 = arith.constant 0 : index
    %get3A_146 = vector.load %arg2[%get3A_143, %get3A_144, %get3A_145] : memref<1x1024x768xf32, #tpu.memory_space<vmem>>, vector<1x32x768xf32>
    %get3A_147 = vector.shape_cast %get3A_146 : vector<1x32x768xf32> to vector<32x768xf32>
    %dot_general3A_148 = arith.constant dense<0.000000e+00> : vector<16x768xf32>
    %dot_general3A_149 = tpu.matmul %get3A_142, %get3A_147, %dot_general3A_148 {dimension_numbers = #tpu.dot_dimension_numbers<[1], [0], [0], [1], [0, 0, 1, 1], [], []>, transpose_lhs_hint = false} : vector<16x32xf32>, vector<32x768xf32>, vector<16x768xf32> -> vector<16x768xf32>
    %add3A_150 = arith.addf %broadcast_in_dim3A_135, %dot_general3A_149 : vector<16x768xf32>
    %reduce_sum3A = arith.constant dense<0.000000e+00> : vector<16xf32>
    %reduce_sum3A_151 = vector.multi_reduction <add>, %get3A_142, %reduce_sum3A [1] : vector<16x32xf32> to vector<16xf32>
    %broadcast_in_dim3A_152 = vector.shape_cast %reduce_sum3A_151 : vector<16xf32> to vector<16x1xf32>
    %add3A_153 = arith.addf %broadcast_in_dim3A_137, %broadcast_in_dim3A_152 : vector<16x1xf32>
    %get3A_154 = arith.constant 1 : index
    %get3A_155 = arith.constant 0 : index
    %get3A_156 = arith.constant 0 : index
    %get3A_157 = vector.load %arg4[%get3A_154, %get3A_155, %get3A_156] : memref<32x16x32xf32, #tpu.memory_space<vmem>>, vector<1x16x32xf32>
    %get3A_158 = vector.shape_cast %get3A_157 : vector<1x16x32xf32> to vector<16x32xf32>
    %get3A_159 = arith.constant 0 : index
    %get3A_160 = arith.constant 32 : index
    %get3A_161 = arith.constant 0 : index
    %get3A_162 = vector.load %arg2[%get3A_159, %get3A_160, %get3A_161] : memref<1x1024x768xf32, #tpu.memory_space<vmem>>, vector<1x32x768xf32>
    %get3A_163 = vector.shape_cast %get3A_162 : vector<1x32x768xf32> to vector<32x768xf32>
    %dot_general3A_164 = arith.constant dense<0.000000e+00> : vector<16x768xf32>
    %dot_general3A_165 = tpu.matmul %get3A_158, %get3A_163, %dot_general3A_164 {dimension_numbers = #tpu.dot_dimension_numbers<[1], [0], [0], [1], [0, 0, 1, 1], [], []>, transpose_lhs_hint = false} : vector<16x32xf32>, vector<32x768xf32>, vector<16x768xf32> -> vector<16x768xf32>
    %add3A_166 = arith.addf %add3A_150, %dot_general3A_165 : vector<16x768xf32>
    %reduce_sum3A_167 = arith.constant dense<0.000000e+00> : vector<16xf32>
    %reduce_sum3A_168 = vector.multi_reduction <add>, %get3A_158, %reduce_sum3A_167 [1] : vector<16x32xf32> to vector<16xf32>
    %broadcast_in_dim3A_169 = vector.shape_cast %reduce_sum3A_168 : vector<16xf32> to vector<16x1xf32>
    %add3A_170 = arith.addf %add3A_153, %broadcast_in_dim3A_169 : vector<16x1xf32>
    %get3A_171 = arith.constant 2 : index
    %get3A_172 = arith.constant 0 : index
    %get3A_173 = arith.constant 0 : index
    %get3A_174 = vector.load %arg4[%get3A_171, %get3A_172, %get3A_173] : memref<32x16x32xf32, #tpu.memory_space<vmem>>, vector<1x16x32xf32>
    %get3A_175 = vector.shape_cast %get3A_174 : vector<1x16x32xf32> to vector<16x32xf32>
    %get3A_176 = arith.constant 0 : index
    %get3A_177 = arith.constant 64 : index
    %get3A_178 = arith.constant 0 : index
    %get3A_179 = vector.load %arg2[%get3A_176, %get3A_177, %get3A_178] : memref<1x1024x768xf32, #tpu.memory_space<vmem>>, vector<1x32x768xf32>
    %get3A_180 = vector.shape_cast %get3A_179 : vector<1x32x768xf32> to vector<32x768xf32>
    %dot_general3A_181 = arith.constant dense<0.000000e+00> : vector<16x768xf32>
    %dot_general3A_182 = tpu.matmul %get3A_175, %get3A_180, %dot_general3A_181 {dimension_numbers = #tpu.dot_dimension_numbers<[1], [0], [0], [1], [0, 0, 1, 1], [], []>, transpose_lhs_hint = false} : vector<16x32xf32>, vector<32x768xf32>, vector<16x768xf32> -> vector<16x768xf32>
    %add3A_183 = arith.addf %add3A_166, %dot_general3A_182 : vector<16x768xf32>
    %reduce_sum3A_184 = arith.constant dense<0.000000e+00> : vector<16xf32>
    %reduce_sum3A_185 = vector.multi_reduction <add>, %get3A_175, %reduce_sum3A_184 [1] : vector<16x32xf32> to vector<16xf32>
    %broadcast_in_dim3A_186 = vector.shape_cast %reduce_sum3A_185 : vector<16xf32> to vector<16x1xf32>
    %add3A_187 = arith.addf %add3A_170, %broadcast_in_dim3A_186 : vector<16x1xf32>
    %get3A_188 = arith.constant 3 : index
    %get3A_189 = arith.constant 0 : index
    %get3A_190 = arith.constant 0 : index
    %get3A_191 = vector.load %arg4[%get3A_188, %get3A_189, %get3A_190] : memref<32x16x32xf32, #tpu.memory_space<vmem>>, vector<1x16x32xf32>
    %get3A_192 = vector.shape_cast %get3A_191 : vector<1x16x32xf32> to vector<16x32xf32>
    %get3A_193 = arith.constant 0 : index
    %get3A_194 = arith.constant 96 : index
    %get3A_195 = arith.constant 0 : index
    %get3A_196 = vector.load %arg2[%get3A_193, %get3A_194, %get3A_195] : memref<1x1024x768xf32, #tpu.memory_space<vmem>>, vector<1x32x768xf32>
    %get3A_197 = vector.shape_cast %get3A_196 : vector<1x32x768xf32> to vector<32x768xf32>
    %dot_general3A_198 = arith.constant dense<0.000000e+00> : vector<16x768xf32>
    %dot_general3A_199 = tpu.matmul %get3A_192, %get3A_197, %dot_general3A_198 {dimension_numbers = #tpu.dot_dimension_numbers<[1], [0], [0], [1], [0, 0, 1, 1], [], []>, transpose_lhs_hint = false} : vector<16x32xf32>, vector<32x768xf32>, vector<16x768xf32> -> vector<16x768xf32>
    %add3A_200 = arith.addf %add3A_183, %dot_general3A_199 : vector<16x768xf32>
    %reduce_sum3A_201 = arith.constant dense<0.000000e+00> : vector<16xf32>
    %reduce_sum3A_202 = vector.multi_reduction <add>, %get3A_192, %reduce_sum3A_201 [1] : vector<16x32xf32> to vector<16xf32>
    %broadcast_in_dim3A_203 = vector.shape_cast %reduce_sum3A_202 : vector<16xf32> to vector<16x1xf32>
    %add3A_204 = arith.addf %add3A_187, %broadcast_in_dim3A_203 : vector<16x1xf32>
    %get3A_205 = arith.constant 4 : index
    %get3A_206 = arith.constant 0 : index
    %get3A_207 = arith.constant 0 : index
    %get3A_208 = vector.load %arg4[%get3A_205, %get3A_206, %get3A_207] : memref<32x16x32xf32, #tpu.memory_space<vmem>>, vector<1x16x32xf32>
    %get3A_209 = vector.shape_cast %get3A_208 : vector<1x16x32xf32> to vector<16x32xf32>
    %get3A_210 = arith.constant 0 : index
    %get3A_211 = arith.constant 128 : index
    %get3A_212 = arith.constant 0 : index
    %get3A_213 = vector.load %arg2[%get3A_210, %get3A_211, %get3A_212] : memref<1x1024x768xf32, #tpu.memory_space<vmem>>, vector<1x32x768xf32>
    %get3A_214 = vector.shape_cast %get3A_213 : vector<1x32x768xf32> to vector<32x768xf32>
    %dot_general3A_215 = arith.constant dense<0.000000e+00> : vector<16x768xf32>
    %dot_general3A_216 = tpu.matmul %get3A_209, %get3A_214, %dot_general3A_215 {dimension_numbers = #tpu.dot_dimension_numbers<[1], [0], [0], [1], [0, 0, 1, 1], [], []>, transpose_lhs_hint = false} : vector<16x32xf32>, vector<32x768xf32>, vector<16x768xf32> -> vector<16x768xf32>
    %add3A_217 = arith.addf %add3A_200, %dot_general3A_216 : vector<16x768xf32>
    %reduce_sum3A_218 = arith.constant dense<0.000000e+00> : vector<16xf32>
    %reduce_sum3A_219 = vector.multi_reduction <add>, %get3A_209, %reduce_sum3A_218 [1] : vector<16x32xf32> to vector<16xf32>
    %broadcast_in_dim3A_220 = vector.shape_cast %reduce_sum3A_219 : vector<16xf32> to vector<16x1xf32>
    %add3A_221 = arith.addf %add3A_204, %broadcast_in_dim3A_220 : vector<16x1xf32>
    %get3A_222 = arith.constant 5 : index
    %get3A_223 = arith.constant 0 : index
    %get3A_224 = arith.constant 0 : index
    %get3A_225 = vector.load %arg4[%get3A_222, %get3A_223, %get3A_224] : memref<32x16x32xf32, #tpu.memory_space<vmem>>, vector<1x16x32xf32>
    %get3A_226 = vector.shape_cast %get3A_225 : vector<1x16x32xf32> to vector<16x32xf32>
    %get3A_227 = arith.constant 0 : index
    %get3A_228 = arith.constant 160 : index
    %get3A_229 = arith.constant 0 : index
    %get3A_230 = vector.load %arg2[%get3A_227, %get3A_228, %get3A_229] : memref<1x1024x768xf32, #tpu.memory_space<vmem>>, vector<1x32x768xf32>
    %get3A_231 = vector.shape_cast %get3A_230 : vector<1x32x768xf32> to vector<32x768xf32>
    %dot_general3A_232 = arith.constant dense<0.000000e+00> : vector<16x768xf32>
    %dot_general3A_233 = tpu.matmul %get3A_226, %get3A_231, %dot_general3A_232 {dimension_numbers = #tpu.dot_dimension_numbers<[1], [0], [0], [1], [0, 0, 1, 1], [], []>, transpose_lhs_hint = false} : vector<16x32xf32>, vector<32x768xf32>, vector<16x768xf32> -> vector<16x768xf32>
    %add3A_234 = arith.addf %add3A_217, %dot_general3A_233 : vector<16x768xf32>
    %reduce_sum3A_235 = arith.constant dense<0.000000e+00> : vector<16xf32>
    %reduce_sum3A_236 = vector.multi_reduction <add>, %get3A_226, %reduce_sum3A_235 [1] : vector<16x32xf32> to vector<16xf32>
    %broadcast_in_dim3A_237 = vector.shape_cast %reduce_sum3A_236 : vector<16xf32> to vector<16x1xf32>
    %add3A_238 = arith.addf %add3A_221, %broadcast_in_dim3A_237 : vector<16x1xf32>
    %get3A_239 = arith.constant 6 : index
    %get3A_240 = arith.constant 0 : index
    %get3A_241 = arith.constant 0 : index
    %get3A_242 = vector.load %arg4[%get3A_239, %get3A_240, %get3A_241] : memref<32x16x32xf32, #tpu.memory_space<vmem>>, vector<1x16x32xf32>
    %get3A_243 = vector.shape_cast %get3A_242 : vector<1x16x32xf32> to vector<16x32xf32>
    %get3A_244 = arith.constant 0 : index
    %get3A_245 = arith.constant 192 : index
    %get3A_246 = arith.constant 0 : index
    %get3A_247 = vector.load %arg2[%get3A_244, %get3A_245, %get3A_246] : memref<1x1024x768xf32, #tpu.memory_space<vmem>>, vector<1x32x768xf32>
    %get3A_248 = vector.shape_cast %get3A_247 : vector<1x32x768xf32> to vector<32x768xf32>
    %dot_general3A_249 = arith.constant dense<0.000000e+00> : vector<16x768xf32>
    %dot_general3A_250 = tpu.matmul %get3A_243, %get3A_248, %dot_general3A_249 {dimension_numbers = #tpu.dot_dimension_numbers<[1], [0], [0], [1], [0, 0, 1, 1], [], []>, transpose_lhs_hint = false} : vector<16x32xf32>, vector<32x768xf32>, vector<16x768xf32> -> vector<16x768xf32>
    %add3A_251 = arith.addf %add3A_234, %dot_general3A_250 : vector<16x768xf32>
    %reduce_sum3A_252 = arith.constant dense<0.000000e+00> : vector<16xf32>
    %reduce_sum3A_253 = vector.multi_reduction <add>, %get3A_243, %reduce_sum3A_252 [1] : vector<16x32xf32> to vector<16xf32>
    %broadcast_in_dim3A_254 = vector.shape_cast %reduce_sum3A_253 : vector<16xf32> to vector<16x1xf32>
    %add3A_255 = arith.addf %add3A_238, %broadcast_in_dim3A_254 : vector<16x1xf32>
    %get3A_256 = arith.constant 7 : index
    %get3A_257 = arith.constant 0 : index
    %get3A_258 = arith.constant 0 : index
    %get3A_259 = vector.load %arg4[%get3A_256, %get3A_257, %get3A_258] : memref<32x16x32xf32, #tpu.memory_space<vmem>>, vector<1x16x32xf32>
    %get3A_260 = vector.shape_cast %get3A_259 : vector<1x16x32xf32> to vector<16x32xf32>
    %get3A_261 = arith.constant 0 : index
    %get3A_262 = arith.constant 224 : index
    %get3A_263 = arith.constant 0 : index
    %get3A_264 = vector.load %arg2[%get3A_261, %get3A_262, %get3A_263] : memref<1x1024x768xf32, #tpu.memory_space<vmem>>, vector<1x32x768xf32>
    %get3A_265 = vector.shape_cast %get3A_264 : vector<1x32x768xf32> to vector<32x768xf32>
    %dot_general3A_266 = arith.constant dense<0.000000e+00> : vector<16x768xf32>
    %dot_general3A_267 = tpu.matmul %get3A_260, %get3A_265, %dot_general3A_266 {dimension_numbers = #tpu.dot_dimension_numbers<[1], [0], [0], [1], [0, 0, 1, 1], [], []>, transpose_lhs_hint = false} : vector<16x32xf32>, vector<32x768xf32>, vector<16x768xf32> -> vector<16x768xf32>
    %add3A_268 = arith.addf %add3A_251, %dot_general3A_267 : vector<16x768xf32>
    %reduce_sum3A_269 = arith.constant dense<0.000000e+00> : vector<16xf32>
    %reduce_sum3A_270 = vector.multi_reduction <add>, %get3A_260, %reduce_sum3A_269 [1] : vector<16x32xf32> to vector<16xf32>
    %broadcast_in_dim3A_271 = vector.shape_cast %reduce_sum3A_270 : vector<16xf32> to vector<16x1xf32>
    %add3A_272 = arith.addf %add3A_255, %broadcast_in_dim3A_271 : vector<16x1xf32>
    %get3A_273 = arith.constant 8 : index
    %get3A_274 = arith.constant 0 : index
    %get3A_275 = arith.constant 0 : index
    %get3A_276 = vector.load %arg4[%get3A_273, %get3A_274, %get3A_275] : memref<32x16x32xf32, #tpu.memory_space<vmem>>, vector<1x16x32xf32>
    %get3A_277 = vector.shape_cast %get3A_276 : vector<1x16x32xf32> to vector<16x32xf32>
    %get3A_278 = arith.constant 0 : index
    %get3A_279 = arith.constant 256 : index
    %get3A_280 = arith.constant 0 : index
    %get3A_281 = vector.load %arg2[%get3A_278, %get3A_279, %get3A_280] : memref<1x1024x768xf32, #tpu.memory_space<vmem>>, vector<1x32x768xf32>
    %get3A_282 = vector.shape_cast %get3A_281 : vector<1x32x768xf32> to vector<32x768xf32>
    %dot_general3A_283 = arith.constant dense<0.000000e+00> : vector<16x768xf32>
    %dot_general3A_284 = tpu.matmul %get3A_277, %get3A_282, %dot_general3A_283 {dimension_numbers = #tpu.dot_dimension_numbers<[1], [0], [0], [1], [0, 0, 1, 1], [], []>, transpose_lhs_hint = false} : vector<16x32xf32>, vector<32x768xf32>, vector<16x768xf32> -> vector<16x768xf32>
    %add3A_285 = arith.addf %add3A_268, %dot_general3A_284 : vector<16x768xf32>
    %reduce_sum3A_286 = arith.constant dense<0.000000e+00> : vector<16xf32>
    %reduce_sum3A_287 = vector.multi_reduction <add>, %get3A_277, %reduce_sum3A_286 [1] : vector<16x32xf32> to vector<16xf32>
    %broadcast_in_dim3A_288 = vector.shape_cast %reduce_sum3A_287 : vector<16xf32> to vector<16x1xf32>
    %add3A_289 = arith.addf %add3A_272, %broadcast_in_dim3A_288 : vector<16x1xf32>
    %get3A_290 = arith.constant 9 : index
    %get3A_291 = arith.constant 0 : index
    %get3A_292 = arith.constant 0 : index
    %get3A_293 = vector.load %arg4[%get3A_290, %get3A_291, %get3A_292] : memref<32x16x32xf32, #tpu.memory_space<vmem>>, vector<1x16x32xf32>
    %get3A_294 = vector.shape_cast %get3A_293 : vector<1x16x32xf32> to vector<16x32xf32>
    %get3A_295 = arith.constant 0 : index
    %get3A_296 = arith.constant 288 : index
    %get3A_297 = arith.constant 0 : index
    %get3A_298 = vector.load %arg2[%get3A_295, %get3A_296, %get3A_297] : memref<1x1024x768xf32, #tpu.memory_space<vmem>>, vector<1x32x768xf32>
    %get3A_299 = vector.shape_cast %get3A_298 : vector<1x32x768xf32> to vector<32x768xf32>
    %dot_general3A_300 = arith.constant dense<0.000000e+00> : vector<16x768xf32>
    %dot_general3A_301 = tpu.matmul %get3A_294, %get3A_299, %dot_general3A_300 {dimension_numbers = #tpu.dot_dimension_numbers<[1], [0], [0], [1], [0, 0, 1, 1], [], []>, transpose_lhs_hint = false} : vector<16x32xf32>, vector<32x768xf32>, vector<16x768xf32> -> vector<16x768xf32>
    %add3A_302 = arith.addf %add3A_285, %dot_general3A_301 : vector<16x768xf32>
    %reduce_sum3A_303 = arith.constant dense<0.000000e+00> : vector<16xf32>
    %reduce_sum3A_304 = vector.multi_reduction <add>, %get3A_294, %reduce_sum3A_303 [1] : vector<16x32xf32> to vector<16xf32>
    %broadcast_in_dim3A_305 = vector.shape_cast %reduce_sum3A_304 : vector<16xf32> to vector<16x1xf32>
    %add3A_306 = arith.addf %add3A_289, %broadcast_in_dim3A_305 : vector<16x1xf32>
    %get3A_307 = arith.constant 10 : index
    %get3A_308 = arith.constant 0 : index
    %get3A_309 = arith.constant 0 : index
    %get3A_310 = vector.load %arg4[%get3A_307, %get3A_308, %get3A_309] : memref<32x16x32xf32, #tpu.memory_space<vmem>>, vector<1x16x32xf32>
    %get3A_311 = vector.shape_cast %get3A_310 : vector<1x16x32xf32> to vector<16x32xf32>
    %get3A_312 = arith.constant 0 : index
    %get3A_313 = arith.constant 320 : index
    %get3A_314 = arith.constant 0 : index
    %get3A_315 = vector.load %arg2[%get3A_312, %get3A_313, %get3A_314] : memref<1x1024x768xf32, #tpu.memory_space<vmem>>, vector<1x32x768xf32>
    %get3A_316 = vector.shape_cast %get3A_315 : vector<1x32x768xf32> to vector<32x768xf32>
    %dot_general3A_317 = arith.constant dense<0.000000e+00> : vector<16x768xf32>
    %dot_general3A_318 = tpu.matmul %get3A_311, %get3A_316, %dot_general3A_317 {dimension_numbers = #tpu.dot_dimension_numbers<[1], [0], [0], [1], [0, 0, 1, 1], [], []>, transpose_lhs_hint = false} : vector<16x32xf32>, vector<32x768xf32>, vector<16x768xf32> -> vector<16x768xf32>
    %add3A_319 = arith.addf %add3A_302, %dot_general3A_318 : vector<16x768xf32>
    %reduce_sum3A_320 = arith.constant dense<0.000000e+00> : vector<16xf32>
    %reduce_sum3A_321 = vector.multi_reduction <add>, %get3A_311, %reduce_sum3A_320 [1] : vector<16x32xf32> to vector<16xf32>
    %broadcast_in_dim3A_322 = vector.shape_cast %reduce_sum3A_321 : vector<16xf32> to vector<16x1xf32>
    %add3A_323 = arith.addf %add3A_306, %broadcast_in_dim3A_322 : vector<16x1xf32>
    %get3A_324 = arith.constant 11 : index
    %get3A_325 = arith.constant 0 : index
    %get3A_326 = arith.constant 0 : index
    %get3A_327 = vector.load %arg4[%get3A_324, %get3A_325, %get3A_326] : memref<32x16x32xf32, #tpu.memory_space<vmem>>, vector<1x16x32xf32>
    %get3A_328 = vector.shape_cast %get3A_327 : vector<1x16x32xf32> to vector<16x32xf32>
    %get3A_329 = arith.constant 0 : index
    %get3A_330 = arith.constant 352 : index
    %get3A_331 = arith.constant 0 : index
    %get3A_332 = vector.load %arg2[%get3A_329, %get3A_330, %get3A_331] : memref<1x1024x768xf32, #tpu.memory_space<vmem>>, vector<1x32x768xf32>
    %get3A_333 = vector.shape_cast %get3A_332 : vector<1x32x768xf32> to vector<32x768xf32>
    %dot_general3A_334 = arith.constant dense<0.000000e+00> : vector<16x768xf32>
    %dot_general3A_335 = tpu.matmul %get3A_328, %get3A_333, %dot_general3A_334 {dimension_numbers = #tpu.dot_dimension_numbers<[1], [0], [0], [1], [0, 0, 1, 1], [], []>, transpose_lhs_hint = false} : vector<16x32xf32>, vector<32x768xf32>, vector<16x768xf32> -> vector<16x768xf32>
    %add3A_336 = arith.addf %add3A_319, %dot_general3A_335 : vector<16x768xf32>
    %reduce_sum3A_337 = arith.constant dense<0.000000e+00> : vector<16xf32>
    %reduce_sum3A_338 = vector.multi_reduction <add>, %get3A_328, %reduce_sum3A_337 [1] : vector<16x32xf32> to vector<16xf32>
    %broadcast_in_dim3A_339 = vector.shape_cast %reduce_sum3A_338 : vector<16xf32> to vector<16x1xf32>
    %add3A_340 = arith.addf %add3A_323, %broadcast_in_dim3A_339 : vector<16x1xf32>
    %get3A_341 = arith.constant 12 : index
    %get3A_342 = arith.constant 0 : index
    %get3A_343 = arith.constant 0 : index
    %get3A_344 = vector.load %arg4[%get3A_341, %get3A_342, %get3A_343] : memref<32x16x32xf32, #tpu.memory_space<vmem>>, vector<1x16x32xf32>
    %get3A_345 = vector.shape_cast %get3A_344 : vector<1x16x32xf32> to vector<16x32xf32>
    %get3A_346 = arith.constant 0 : index
    %get3A_347 = arith.constant 384 : index
    %get3A_348 = arith.constant 0 : index
    %get3A_349 = vector.load %arg2[%get3A_346, %get3A_347, %get3A_348] : memref<1x1024x768xf32, #tpu.memory_space<vmem>>, vector<1x32x768xf32>
    %get3A_350 = vector.shape_cast %get3A_349 : vector<1x32x768xf32> to vector<32x768xf32>
    %dot_general3A_351 = arith.constant dense<0.000000e+00> : vector<16x768xf32>
    %dot_general3A_352 = tpu.matmul %get3A_345, %get3A_350, %dot_general3A_351 {dimension_numbers = #tpu.dot_dimension_numbers<[1], [0], [0], [1], [0, 0, 1, 1], [], []>, transpose_lhs_hint = false} : vector<16x32xf32>, vector<32x768xf32>, vector<16x768xf32> -> vector<16x768xf32>
    %add3A_353 = arith.addf %add3A_336, %dot_general3A_352 : vector<16x768xf32>
    %reduce_sum3A_354 = arith.constant dense<0.000000e+00> : vector<16xf32>
    %reduce_sum3A_355 = vector.multi_reduction <add>, %get3A_345, %reduce_sum3A_354 [1] : vector<16x32xf32> to vector<16xf32>
    %broadcast_in_dim3A_356 = vector.shape_cast %reduce_sum3A_355 : vector<16xf32> to vector<16x1xf32>
    %add3A_357 = arith.addf %add3A_340, %broadcast_in_dim3A_356 : vector<16x1xf32>
    %get3A_358 = arith.constant 13 : index
    %get3A_359 = arith.constant 0 : index
    %get3A_360 = arith.constant 0 : index
    %get3A_361 = vector.load %arg4[%get3A_358, %get3A_359, %get3A_360] : memref<32x16x32xf32, #tpu.memory_space<vmem>>, vector<1x16x32xf32>
    %get3A_362 = vector.shape_cast %get3A_361 : vector<1x16x32xf32> to vector<16x32xf32>
    %get3A_363 = arith.constant 0 : index
    %get3A_364 = arith.constant 416 : index
    %get3A_365 = arith.constant 0 : index
    %get3A_366 = vector.load %arg2[%get3A_363, %get3A_364, %get3A_365] : memref<1x1024x768xf32, #tpu.memory_space<vmem>>, vector<1x32x768xf32>
    %get3A_367 = vector.shape_cast %get3A_366 : vector<1x32x768xf32> to vector<32x768xf32>
    %dot_general3A_368 = arith.constant dense<0.000000e+00> : vector<16x768xf32>
    %dot_general3A_369 = tpu.matmul %get3A_362, %get3A_367, %dot_general3A_368 {dimension_numbers = #tpu.dot_dimension_numbers<[1], [0], [0], [1], [0, 0, 1, 1], [], []>, transpose_lhs_hint = false} : vector<16x32xf32>, vector<32x768xf32>, vector<16x768xf32> -> vector<16x768xf32>
    %add3A_370 = arith.addf %add3A_353, %dot_general3A_369 : vector<16x768xf32>
    %reduce_sum3A_371 = arith.constant dense<0.000000e+00> : vector<16xf32>
    %reduce_sum3A_372 = vector.multi_reduction <add>, %get3A_362, %reduce_sum3A_371 [1] : vector<16x32xf32> to vector<16xf32>
    %broadcast_in_dim3A_373 = vector.shape_cast %reduce_sum3A_372 : vector<16xf32> to vector<16x1xf32>
    %add3A_374 = arith.addf %add3A_357, %broadcast_in_dim3A_373 : vector<16x1xf32>
    %get3A_375 = arith.constant 14 : index
    %get3A_376 = arith.constant 0 : index
    %get3A_377 = arith.constant 0 : index
    %get3A_378 = vector.load %arg4[%get3A_375, %get3A_376, %get3A_377] : memref<32x16x32xf32, #tpu.memory_space<vmem>>, vector<1x16x32xf32>
    %get3A_379 = vector.shape_cast %get3A_378 : vector<1x16x32xf32> to vector<16x32xf32>
    %get3A_380 = arith.constant 0 : index
    %get3A_381 = arith.constant 448 : index
    %get3A_382 = arith.constant 0 : index
    %get3A_383 = vector.load %arg2[%get3A_380, %get3A_381, %get3A_382] : memref<1x1024x768xf32, #tpu.memory_space<vmem>>, vector<1x32x768xf32>
    %get3A_384 = vector.shape_cast %get3A_383 : vector<1x32x768xf32> to vector<32x768xf32>
    %dot_general3A_385 = arith.constant dense<0.000000e+00> : vector<16x768xf32>
    %dot_general3A_386 = tpu.matmul %get3A_379, %get3A_384, %dot_general3A_385 {dimension_numbers = #tpu.dot_dimension_numbers<[1], [0], [0], [1], [0, 0, 1, 1], [], []>, transpose_lhs_hint = false} : vector<16x32xf32>, vector<32x768xf32>, vector<16x768xf32> -> vector<16x768xf32>
    %add3A_387 = arith.addf %add3A_370, %dot_general3A_386 : vector<16x768xf32>
    %reduce_sum3A_388 = arith.constant dense<0.000000e+00> : vector<16xf32>
    %reduce_sum3A_389 = vector.multi_reduction <add>, %get3A_379, %reduce_sum3A_388 [1] : vector<16x32xf32> to vector<16xf32>
    %broadcast_in_dim3A_390 = vector.shape_cast %reduce_sum3A_389 : vector<16xf32> to vector<16x1xf32>
    %add3A_391 = arith.addf %add3A_374, %broadcast_in_dim3A_390 : vector<16x1xf32>
    %get3A_392 = arith.constant 15 : index
    %get3A_393 = arith.constant 0 : index
    %get3A_394 = arith.constant 0 : index
    %get3A_395 = vector.load %arg4[%get3A_392, %get3A_393, %get3A_394] : memref<32x16x32xf32, #tpu.memory_space<vmem>>, vector<1x16x32xf32>
    %get3A_396 = vector.shape_cast %get3A_395 : vector<1x16x32xf32> to vector<16x32xf32>
    %get3A_397 = arith.constant 0 : index
    %get3A_398 = arith.constant 480 : index
    %get3A_399 = arith.constant 0 : index
    %get3A_400 = vector.load %arg2[%get3A_397, %get3A_398, %get3A_399] : memref<1x1024x768xf32, #tpu.memory_space<vmem>>, vector<1x32x768xf32>
    %get3A_401 = vector.shape_cast %get3A_400 : vector<1x32x768xf32> to vector<32x768xf32>
    %dot_general3A_402 = arith.constant dense<0.000000e+00> : vector<16x768xf32>
    %dot_general3A_403 = tpu.matmul %get3A_396, %get3A_401, %dot_general3A_402 {dimension_numbers = #tpu.dot_dimension_numbers<[1], [0], [0], [1], [0, 0, 1, 1], [], []>, transpose_lhs_hint = false} : vector<16x32xf32>, vector<32x768xf32>, vector<16x768xf32> -> vector<16x768xf32>
    %add3A_404 = arith.addf %add3A_387, %dot_general3A_403 : vector<16x768xf32>
    %reduce_sum3A_405 = arith.constant dense<0.000000e+00> : vector<16xf32>
    %reduce_sum3A_406 = vector.multi_reduction <add>, %get3A_396, %reduce_sum3A_405 [1] : vector<16x32xf32> to vector<16xf32>
    %broadcast_in_dim3A_407 = vector.shape_cast %reduce_sum3A_406 : vector<16xf32> to vector<16x1xf32>
    %add3A_408 = arith.addf %add3A_391, %broadcast_in_dim3A_407 : vector<16x1xf32>
    %get3A_409 = arith.constant 16 : index
    %get3A_410 = arith.constant 0 : index
    %get3A_411 = arith.constant 0 : index
    %get3A_412 = vector.load %arg4[%get3A_409, %get3A_410, %get3A_411] : memref<32x16x32xf32, #tpu.memory_space<vmem>>, vector<1x16x32xf32>
    %get3A_413 = vector.shape_cast %get3A_412 : vector<1x16x32xf32> to vector<16x32xf32>
    %get3A_414 = arith.constant 0 : index
    %get3A_415 = arith.constant 512 : index
    %get3A_416 = arith.constant 0 : index
    %get3A_417 = vector.load %arg2[%get3A_414, %get3A_415, %get3A_416] : memref<1x1024x768xf32, #tpu.memory_space<vmem>>, vector<1x32x768xf32>
    %get3A_418 = vector.shape_cast %get3A_417 : vector<1x32x768xf32> to vector<32x768xf32>
    %dot_general3A_419 = arith.constant dense<0.000000e+00> : vector<16x768xf32>
    %dot_general3A_420 = tpu.matmul %get3A_413, %get3A_418, %dot_general3A_419 {dimension_numbers = #tpu.dot_dimension_numbers<[1], [0], [0], [1], [0, 0, 1, 1], [], []>, transpose_lhs_hint = false} : vector<16x32xf32>, vector<32x768xf32>, vector<16x768xf32> -> vector<16x768xf32>
    %add3A_421 = arith.addf %add3A_404, %dot_general3A_420 : vector<16x768xf32>
    %reduce_sum3A_422 = arith.constant dense<0.000000e+00> : vector<16xf32>
    %reduce_sum3A_423 = vector.multi_reduction <add>, %get3A_413, %reduce_sum3A_422 [1] : vector<16x32xf32> to vector<16xf32>
    %broadcast_in_dim3A_424 = vector.shape_cast %reduce_sum3A_423 : vector<16xf32> to vector<16x1xf32>
    %add3A_425 = arith.addf %add3A_408, %broadcast_in_dim3A_424 : vector<16x1xf32>
    %get3A_426 = arith.constant 17 : index
    %get3A_427 = arith.constant 0 : index
    %get3A_428 = arith.constant 0 : index
    %get3A_429 = vector.load %arg4[%get3A_426, %get3A_427, %get3A_428] : memref<32x16x32xf32, #tpu.memory_space<vmem>>, vector<1x16x32xf32>
    %get3A_430 = vector.shape_cast %get3A_429 : vector<1x16x32xf32> to vector<16x32xf32>
    %get3A_431 = arith.constant 0 : index
    %get3A_432 = arith.constant 544 : index
    %get3A_433 = arith.constant 0 : index
    %get3A_434 = vector.load %arg2[%get3A_431, %get3A_432, %get3A_433] : memref<1x1024x768xf32, #tpu.memory_space<vmem>>, vector<1x32x768xf32>
    %get3A_435 = vector.shape_cast %get3A_434 : vector<1x32x768xf32> to vector<32x768xf32>
    %dot_general3A_436 = arith.constant dense<0.000000e+00> : vector<16x768xf32>
    %dot_general3A_437 = tpu.matmul %get3A_430, %get3A_435, %dot_general3A_436 {dimension_numbers = #tpu.dot_dimension_numbers<[1], [0], [0], [1], [0, 0, 1, 1], [], []>, transpose_lhs_hint = false} : vector<16x32xf32>, vector<32x768xf32>, vector<16x768xf32> -> vector<16x768xf32>
    %add3A_438 = arith.addf %add3A_421, %dot_general3A_437 : vector<16x768xf32>
    %reduce_sum3A_439 = arith.constant dense<0.000000e+00> : vector<16xf32>
    %reduce_sum3A_440 = vector.multi_reduction <add>, %get3A_430, %reduce_sum3A_439 [1] : vector<16x32xf32> to vector<16xf32>
    %broadcast_in_dim3A_441 = vector.shape_cast %reduce_sum3A_440 : vector<16xf32> to vector<16x1xf32>
    %add3A_442 = arith.addf %add3A_425, %broadcast_in_dim3A_441 : vector<16x1xf32>
    %get3A_443 = arith.constant 18 : index
    %get3A_444 = arith.constant 0 : index
    %get3A_445 = arith.constant 0 : index
    %get3A_446 = vector.load %arg4[%get3A_443, %get3A_444, %get3A_445] : memref<32x16x32xf32, #tpu.memory_space<vmem>>, vector<1x16x32xf32>
    %get3A_447 = vector.shape_cast %get3A_446 : vector<1x16x32xf32> to vector<16x32xf32>
    %get3A_448 = arith.constant 0 : index
    %get3A_449 = arith.constant 576 : index
    %get3A_450 = arith.constant 0 : index
    %get3A_451 = vector.load %arg2[%get3A_448, %get3A_449, %get3A_450] : memref<1x1024x768xf32, #tpu.memory_space<vmem>>, vector<1x32x768xf32>
    %get3A_452 = vector.shape_cast %get3A_451 : vector<1x32x768xf32> to vector<32x768xf32>
    %dot_general3A_453 = arith.constant dense<0.000000e+00> : vector<16x768xf32>
    %dot_general3A_454 = tpu.matmul %get3A_447, %get3A_452, %dot_general3A_453 {dimension_numbers = #tpu.dot_dimension_numbers<[1], [0], [0], [1], [0, 0, 1, 1], [], []>, transpose_lhs_hint = false} : vector<16x32xf32>, vector<32x768xf32>, vector<16x768xf32> -> vector<16x768xf32>
    %add3A_455 = arith.addf %add3A_438, %dot_general3A_454 : vector<16x768xf32>
    %reduce_sum3A_456 = arith.constant dense<0.000000e+00> : vector<16xf32>
    %reduce_sum3A_457 = vector.multi_reduction <add>, %get3A_447, %reduce_sum3A_456 [1] : vector<16x32xf32> to vector<16xf32>
    %broadcast_in_dim3A_458 = vector.shape_cast %reduce_sum3A_457 : vector<16xf32> to vector<16x1xf32>
    %add3A_459 = arith.addf %add3A_442, %broadcast_in_dim3A_458 : vector<16x1xf32>
    %get3A_460 = arith.constant 19 : index
    %get3A_461 = arith.constant 0 : index
    %get3A_462 = arith.constant 0 : index
    %get3A_463 = vector.load %arg4[%get3A_460, %get3A_461, %get3A_462] : memref<32x16x32xf32, #tpu.memory_space<vmem>>, vector<1x16x32xf32>
    %get3A_464 = vector.shape_cast %get3A_463 : vector<1x16x32xf32> to vector<16x32xf32>
    %get3A_465 = arith.constant 0 : index
    %get3A_466 = arith.constant 608 : index
    %get3A_467 = arith.constant 0 : index
    %get3A_468 = vector.load %arg2[%get3A_465, %get3A_466, %get3A_467] : memref<1x1024x768xf32, #tpu.memory_space<vmem>>, vector<1x32x768xf32>
    %get3A_469 = vector.shape_cast %get3A_468 : vector<1x32x768xf32> to vector<32x768xf32>
    %dot_general3A_470 = arith.constant dense<0.000000e+00> : vector<16x768xf32>
    %dot_general3A_471 = tpu.matmul %get3A_464, %get3A_469, %dot_general3A_470 {dimension_numbers = #tpu.dot_dimension_numbers<[1], [0], [0], [1], [0, 0, 1, 1], [], []>, transpose_lhs_hint = false} : vector<16x32xf32>, vector<32x768xf32>, vector<16x768xf32> -> vector<16x768xf32>
    %add3A_472 = arith.addf %add3A_455, %dot_general3A_471 : vector<16x768xf32>
    %reduce_sum3A_473 = arith.constant dense<0.000000e+00> : vector<16xf32>
    %reduce_sum3A_474 = vector.multi_reduction <add>, %get3A_464, %reduce_sum3A_473 [1] : vector<16x32xf32> to vector<16xf32>
    %broadcast_in_dim3A_475 = vector.shape_cast %reduce_sum3A_474 : vector<16xf32> to vector<16x1xf32>
    %add3A_476 = arith.addf %add3A_459, %broadcast_in_dim3A_475 : vector<16x1xf32>
    %get3A_477 = arith.constant 20 : index
    %get3A_478 = arith.constant 0 : index
    %get3A_479 = arith.constant 0 : index
    %get3A_480 = vector.load %arg4[%get3A_477, %get3A_478, %get3A_479] : memref<32x16x32xf32, #tpu.memory_space<vmem>>, vector<1x16x32xf32>
    %get3A_481 = vector.shape_cast %get3A_480 : vector<1x16x32xf32> to vector<16x32xf32>
    %get3A_482 = arith.constant 0 : index
    %get3A_483 = arith.constant 640 : index
    %get3A_484 = arith.constant 0 : index
    %get3A_485 = vector.load %arg2[%get3A_482, %get3A_483, %get3A_484] : memref<1x1024x768xf32, #tpu.memory_space<vmem>>, vector<1x32x768xf32>
    %get3A_486 = vector.shape_cast %get3A_485 : vector<1x32x768xf32> to vector<32x768xf32>
    %dot_general3A_487 = arith.constant dense<0.000000e+00> : vector<16x768xf32>
    %dot_general3A_488 = tpu.matmul %get3A_481, %get3A_486, %dot_general3A_487 {dimension_numbers = #tpu.dot_dimension_numbers<[1], [0], [0], [1], [0, 0, 1, 1], [], []>, transpose_lhs_hint = false} : vector<16x32xf32>, vector<32x768xf32>, vector<16x768xf32> -> vector<16x768xf32>
    %add3A_489 = arith.addf %add3A_472, %dot_general3A_488 : vector<16x768xf32>
    %reduce_sum3A_490 = arith.constant dense<0.000000e+00> : vector<16xf32>
    %reduce_sum3A_491 = vector.multi_reduction <add>, %get3A_481, %reduce_sum3A_490 [1] : vector<16x32xf32> to vector<16xf32>
    %broadcast_in_dim3A_492 = vector.shape_cast %reduce_sum3A_491 : vector<16xf32> to vector<16x1xf32>
    %add3A_493 = arith.addf %add3A_476, %broadcast_in_dim3A_492 : vector<16x1xf32>
    %get3A_494 = arith.constant 21 : index
    %get3A_495 = arith.constant 0 : index
    %get3A_496 = arith.constant 0 : index
    %get3A_497 = vector.load %arg4[%get3A_494, %get3A_495, %get3A_496] : memref<32x16x32xf32, #tpu.memory_space<vmem>>, vector<1x16x32xf32>
    %get3A_498 = vector.shape_cast %get3A_497 : vector<1x16x32xf32> to vector<16x32xf32>
    %get3A_499 = arith.constant 0 : index
    %get3A_500 = arith.constant 672 : index
    %get3A_501 = arith.constant 0 : index
    %get3A_502 = vector.load %arg2[%get3A_499, %get3A_500, %get3A_501] : memref<1x1024x768xf32, #tpu.memory_space<vmem>>, vector<1x32x768xf32>
    %get3A_503 = vector.shape_cast %get3A_502 : vector<1x32x768xf32> to vector<32x768xf32>
    %dot_general3A_504 = arith.constant dense<0.000000e+00> : vector<16x768xf32>
    %dot_general3A_505 = tpu.matmul %get3A_498, %get3A_503, %dot_general3A_504 {dimension_numbers = #tpu.dot_dimension_numbers<[1], [0], [0], [1], [0, 0, 1, 1], [], []>, transpose_lhs_hint = false} : vector<16x32xf32>, vector<32x768xf32>, vector<16x768xf32> -> vector<16x768xf32>
    %add3A_506 = arith.addf %add3A_489, %dot_general3A_505 : vector<16x768xf32>
    %reduce_sum3A_507 = arith.constant dense<0.000000e+00> : vector<16xf32>
    %reduce_sum3A_508 = vector.multi_reduction <add>, %get3A_498, %reduce_sum3A_507 [1] : vector<16x32xf32> to vector<16xf32>
    %broadcast_in_dim3A_509 = vector.shape_cast %reduce_sum3A_508 : vector<16xf32> to vector<16x1xf32>
    %add3A_510 = arith.addf %add3A_493, %broadcast_in_dim3A_509 : vector<16x1xf32>
    %get3A_511 = arith.constant 22 : index
    %get3A_512 = arith.constant 0 : index
    %get3A_513 = arith.constant 0 : index
    %get3A_514 = vector.load %arg4[%get3A_511, %get3A_512, %get3A_513] : memref<32x16x32xf32, #tpu.memory_space<vmem>>, vector<1x16x32xf32>
    %get3A_515 = vector.shape_cast %get3A_514 : vector<1x16x32xf32> to vector<16x32xf32>
    %get3A_516 = arith.constant 0 : index
    %get3A_517 = arith.constant 704 : index
    %get3A_518 = arith.constant 0 : index
    %get3A_519 = vector.load %arg2[%get3A_516, %get3A_517, %get3A_518] : memref<1x1024x768xf32, #tpu.memory_space<vmem>>, vector<1x32x768xf32>
    %get3A_520 = vector.shape_cast %get3A_519 : vector<1x32x768xf32> to vector<32x768xf32>
    %dot_general3A_521 = arith.constant dense<0.000000e+00> : vector<16x768xf32>
    %dot_general3A_522 = tpu.matmul %get3A_515, %get3A_520, %dot_general3A_521 {dimension_numbers = #tpu.dot_dimension_numbers<[1], [0], [0], [1], [0, 0, 1, 1], [], []>, transpose_lhs_hint = false} : vector<16x32xf32>, vector<32x768xf32>, vector<16x768xf32> -> vector<16x768xf32>
    %add3A_523 = arith.addf %add3A_506, %dot_general3A_522 : vector<16x768xf32>
    %reduce_sum3A_524 = arith.constant dense<0.000000e+00> : vector<16xf32>
    %reduce_sum3A_525 = vector.multi_reduction <add>, %get3A_515, %reduce_sum3A_524 [1] : vector<16x32xf32> to vector<16xf32>
    %broadcast_in_dim3A_526 = vector.shape_cast %reduce_sum3A_525 : vector<16xf32> to vector<16x1xf32>
    %add3A_527 = arith.addf %add3A_510, %broadcast_in_dim3A_526 : vector<16x1xf32>
    %get3A_528 = arith.constant 23 : index
    %get3A_529 = arith.constant 0 : index
    %get3A_530 = arith.constant 0 : index
    %get3A_531 = vector.load %arg4[%get3A_528, %get3A_529, %get3A_530] : memref<32x16x32xf32, #tpu.memory_space<vmem>>, vector<1x16x32xf32>
    %get3A_532 = vector.shape_cast %get3A_531 : vector<1x16x32xf32> to vector<16x32xf32>
    %get3A_533 = arith.constant 0 : index
    %get3A_534 = arith.constant 736 : index
    %get3A_535 = arith.constant 0 : index
    %get3A_536 = vector.load %arg2[%get3A_533, %get3A_534, %get3A_535] : memref<1x1024x768xf32, #tpu.memory_space<vmem>>, vector<1x32x768xf32>
    %get3A_537 = vector.shape_cast %get3A_536 : vector<1x32x768xf32> to vector<32x768xf32>
    %dot_general3A_538 = arith.constant dense<0.000000e+00> : vector<16x768xf32>
    %dot_general3A_539 = tpu.matmul %get3A_532, %get3A_537, %dot_general3A_538 {dimension_numbers = #tpu.dot_dimension_numbers<[1], [0], [0], [1], [0, 0, 1, 1], [], []>, transpose_lhs_hint = false} : vector<16x32xf32>, vector<32x768xf32>, vector<16x768xf32> -> vector<16x768xf32>
    %add3A_540 = arith.addf %add3A_523, %dot_general3A_539 : vector<16x768xf32>
    %reduce_sum3A_541 = arith.constant dense<0.000000e+00> : vector<16xf32>
    %reduce_sum3A_542 = vector.multi_reduction <add>, %get3A_532, %reduce_sum3A_541 [1] : vector<16x32xf32> to vector<16xf32>
    %broadcast_in_dim3A_543 = vector.shape_cast %reduce_sum3A_542 : vector<16xf32> to vector<16x1xf32>
    %add3A_544 = arith.addf %add3A_527, %broadcast_in_dim3A_543 : vector<16x1xf32>
    %get3A_545 = arith.constant 24 : index
    %get3A_546 = arith.constant 0 : index
    %get3A_547 = arith.constant 0 : index
    %get3A_548 = vector.load %arg4[%get3A_545, %get3A_546, %get3A_547] : memref<32x16x32xf32, #tpu.memory_space<vmem>>, vector<1x16x32xf32>
    %get3A_549 = vector.shape_cast %get3A_548 : vector<1x16x32xf32> to vector<16x32xf32>
    %get3A_550 = arith.constant 0 : index
    %get3A_551 = arith.constant 768 : index
    %get3A_552 = arith.constant 0 : index
    %get3A_553 = vector.load %arg2[%get3A_550, %get3A_551, %get3A_552] : memref<1x1024x768xf32, #tpu.memory_space<vmem>>, vector<1x32x768xf32>
    %get3A_554 = vector.shape_cast %get3A_553 : vector<1x32x768xf32> to vector<32x768xf32>
    %dot_general3A_555 = arith.constant dense<0.000000e+00> : vector<16x768xf32>
    %dot_general3A_556 = tpu.matmul %get3A_549, %get3A_554, %dot_general3A_555 {dimension_numbers = #tpu.dot_dimension_numbers<[1], [0], [0], [1], [0, 0, 1, 1], [], []>, transpose_lhs_hint = false} : vector<16x32xf32>, vector<32x768xf32>, vector<16x768xf32> -> vector<16x768xf32>
    %add3A_557 = arith.addf %add3A_540, %dot_general3A_556 : vector<16x768xf32>
    %reduce_sum3A_558 = arith.constant dense<0.000000e+00> : vector<16xf32>
    %reduce_sum3A_559 = vector.multi_reduction <add>, %get3A_549, %reduce_sum3A_558 [1] : vector<16x32xf32> to vector<16xf32>
    %broadcast_in_dim3A_560 = vector.shape_cast %reduce_sum3A_559 : vector<16xf32> to vector<16x1xf32>
    %add3A_561 = arith.addf %add3A_544, %broadcast_in_dim3A_560 : vector<16x1xf32>
    %get3A_562 = arith.constant 25 : index
    %get3A_563 = arith.constant 0 : index
    %get3A_564 = arith.constant 0 : index
    %get3A_565 = vector.load %arg4[%get3A_562, %get3A_563, %get3A_564] : memref<32x16x32xf32, #tpu.memory_space<vmem>>, vector<1x16x32xf32>
    %get3A_566 = vector.shape_cast %get3A_565 : vector<1x16x32xf32> to vector<16x32xf32>
    %get3A_567 = arith.constant 0 : index
    %get3A_568 = arith.constant 800 : index
    %get3A_569 = arith.constant 0 : index
    %get3A_570 = vector.load %arg2[%get3A_567, %get3A_568, %get3A_569] : memref<1x1024x768xf32, #tpu.memory_space<vmem>>, vector<1x32x768xf32>
    %get3A_571 = vector.shape_cast %get3A_570 : vector<1x32x768xf32> to vector<32x768xf32>
    %dot_general3A_572 = arith.constant dense<0.000000e+00> : vector<16x768xf32>
    %dot_general3A_573 = tpu.matmul %get3A_566, %get3A_571, %dot_general3A_572 {dimension_numbers = #tpu.dot_dimension_numbers<[1], [0], [0], [1], [0, 0, 1, 1], [], []>, transpose_lhs_hint = false} : vector<16x32xf32>, vector<32x768xf32>, vector<16x768xf32> -> vector<16x768xf32>
    %add3A_574 = arith.addf %add3A_557, %dot_general3A_573 : vector<16x768xf32>
    %reduce_sum3A_575 = arith.constant dense<0.000000e+00> : vector<16xf32>
    %reduce_sum3A_576 = vector.multi_reduction <add>, %get3A_566, %reduce_sum3A_575 [1] : vector<16x32xf32> to vector<16xf32>
    %broadcast_in_dim3A_577 = vector.shape_cast %reduce_sum3A_576 : vector<16xf32> to vector<16x1xf32>
    %add3A_578 = arith.addf %add3A_561, %broadcast_in_dim3A_577 : vector<16x1xf32>
    %get3A_579 = arith.constant 26 : index
    %get3A_580 = arith.constant 0 : index
    %get3A_581 = arith.constant 0 : index
    %get3A_582 = vector.load %arg4[%get3A_579, %get3A_580, %get3A_581] : memref<32x16x32xf32, #tpu.memory_space<vmem>>, vector<1x16x32xf32>
    %get3A_583 = vector.shape_cast %get3A_582 : vector<1x16x32xf32> to vector<16x32xf32>
    %get3A_584 = arith.constant 0 : index
    %get3A_585 = arith.constant 832 : index
    %get3A_586 = arith.constant 0 : index
    %get3A_587 = vector.load %arg2[%get3A_584, %get3A_585, %get3A_586] : memref<1x1024x768xf32, #tpu.memory_space<vmem>>, vector<1x32x768xf32>
    %get3A_588 = vector.shape_cast %get3A_587 : vector<1x32x768xf32> to vector<32x768xf32>
    %dot_general3A_589 = arith.constant dense<0.000000e+00> : vector<16x768xf32>
    %dot_general3A_590 = tpu.matmul %get3A_583, %get3A_588, %dot_general3A_589 {dimension_numbers = #tpu.dot_dimension_numbers<[1], [0], [0], [1], [0, 0, 1, 1], [], []>, transpose_lhs_hint = false} : vector<16x32xf32>, vector<32x768xf32>, vector<16x768xf32> -> vector<16x768xf32>
    %add3A_591 = arith.addf %add3A_574, %dot_general3A_590 : vector<16x768xf32>
    %reduce_sum3A_592 = arith.constant dense<0.000000e+00> : vector<16xf32>
    %reduce_sum3A_593 = vector.multi_reduction <add>, %get3A_583, %reduce_sum3A_592 [1] : vector<16x32xf32> to vector<16xf32>
    %broadcast_in_dim3A_594 = vector.shape_cast %reduce_sum3A_593 : vector<16xf32> to vector<16x1xf32>
    %add3A_595 = arith.addf %add3A_578, %broadcast_in_dim3A_594 : vector<16x1xf32>
    %get3A_596 = arith.constant 27 : index
    %get3A_597 = arith.constant 0 : index
    %get3A_598 = arith.constant 0 : index
    %get3A_599 = vector.load %arg4[%get3A_596, %get3A_597, %get3A_598] : memref<32x16x32xf32, #tpu.memory_space<vmem>>, vector<1x16x32xf32>
    %get3A_600 = vector.shape_cast %get3A_599 : vector<1x16x32xf32> to vector<16x32xf32>
    %get3A_601 = arith.constant 0 : index
    %get3A_602 = arith.constant 864 : index
    %get3A_603 = arith.constant 0 : index
    %get3A_604 = vector.load %arg2[%get3A_601, %get3A_602, %get3A_603] : memref<1x1024x768xf32, #tpu.memory_space<vmem>>, vector<1x32x768xf32>
    %get3A_605 = vector.shape_cast %get3A_604 : vector<1x32x768xf32> to vector<32x768xf32>
    %dot_general3A_606 = arith.constant dense<0.000000e+00> : vector<16x768xf32>
    %dot_general3A_607 = tpu.matmul %get3A_600, %get3A_605, %dot_general3A_606 {dimension_numbers = #tpu.dot_dimension_numbers<[1], [0], [0], [1], [0, 0, 1, 1], [], []>, transpose_lhs_hint = false} : vector<16x32xf32>, vector<32x768xf32>, vector<16x768xf32> -> vector<16x768xf32>
    %add3A_608 = arith.addf %add3A_591, %dot_general3A_607 : vector<16x768xf32>
    %reduce_sum3A_609 = arith.constant dense<0.000000e+00> : vector<16xf32>
    %reduce_sum3A_610 = vector.multi_reduction <add>, %get3A_600, %reduce_sum3A_609 [1] : vector<16x32xf32> to vector<16xf32>
    %broadcast_in_dim3A_611 = vector.shape_cast %reduce_sum3A_610 : vector<16xf32> to vector<16x1xf32>
    %add3A_612 = arith.addf %add3A_595, %broadcast_in_dim3A_611 : vector<16x1xf32>
    %get3A_613 = arith.constant 28 : index
    %get3A_614 = arith.constant 0 : index
    %get3A_615 = arith.constant 0 : index
    %get3A_616 = vector.load %arg4[%get3A_613, %get3A_614, %get3A_615] : memref<32x16x32xf32, #tpu.memory_space<vmem>>, vector<1x16x32xf32>
    %get3A_617 = vector.shape_cast %get3A_616 : vector<1x16x32xf32> to vector<16x32xf32>
    %get3A_618 = arith.constant 0 : index
    %get3A_619 = arith.constant 896 : index
    %get3A_620 = arith.constant 0 : index
    %get3A_621 = vector.load %arg2[%get3A_618, %get3A_619, %get3A_620] : memref<1x1024x768xf32, #tpu.memory_space<vmem>>, vector<1x32x768xf32>
    %get3A_622 = vector.shape_cast %get3A_621 : vector<1x32x768xf32> to vector<32x768xf32>
    %dot_general3A_623 = arith.constant dense<0.000000e+00> : vector<16x768xf32>
    %dot_general3A_624 = tpu.matmul %get3A_617, %get3A_622, %dot_general3A_623 {dimension_numbers = #tpu.dot_dimension_numbers<[1], [0], [0], [1], [0, 0, 1, 1], [], []>, transpose_lhs_hint = false} : vector<16x32xf32>, vector<32x768xf32>, vector<16x768xf32> -> vector<16x768xf32>
    %add3A_625 = arith.addf %add3A_608, %dot_general3A_624 : vector<16x768xf32>
    %reduce_sum3A_626 = arith.constant dense<0.000000e+00> : vector<16xf32>
    %reduce_sum3A_627 = vector.multi_reduction <add>, %get3A_617, %reduce_sum3A_626 [1] : vector<16x32xf32> to vector<16xf32>
    %broadcast_in_dim3A_628 = vector.shape_cast %reduce_sum3A_627 : vector<16xf32> to vector<16x1xf32>
    %add3A_629 = arith.addf %add3A_612, %broadcast_in_dim3A_628 : vector<16x1xf32>
    %get3A_630 = arith.constant 29 : index
    %get3A_631 = arith.constant 0 : index
    %get3A_632 = arith.constant 0 : index
    %get3A_633 = vector.load %arg4[%get3A_630, %get3A_631, %get3A_632] : memref<32x16x32xf32, #tpu.memory_space<vmem>>, vector<1x16x32xf32>
    %get3A_634 = vector.shape_cast %get3A_633 : vector<1x16x32xf32> to vector<16x32xf32>
    %get3A_635 = arith.constant 0 : index
    %get3A_636 = arith.constant 928 : index
    %get3A_637 = arith.constant 0 : index
    %get3A_638 = vector.load %arg2[%get3A_635, %get3A_636, %get3A_637] : memref<1x1024x768xf32, #tpu.memory_space<vmem>>, vector<1x32x768xf32>
    %get3A_639 = vector.shape_cast %get3A_638 : vector<1x32x768xf32> to vector<32x768xf32>
    %dot_general3A_640 = arith.constant dense<0.000000e+00> : vector<16x768xf32>
    %dot_general3A_641 = tpu.matmul %get3A_634, %get3A_639, %dot_general3A_640 {dimension_numbers = #tpu.dot_dimension_numbers<[1], [0], [0], [1], [0, 0, 1, 1], [], []>, transpose_lhs_hint = false} : vector<16x32xf32>, vector<32x768xf32>, vector<16x768xf32> -> vector<16x768xf32>
    %add3A_642 = arith.addf %add3A_625, %dot_general3A_641 : vector<16x768xf32>
    %reduce_sum3A_643 = arith.constant dense<0.000000e+00> : vector<16xf32>
    %reduce_sum3A_644 = vector.multi_reduction <add>, %get3A_634, %reduce_sum3A_643 [1] : vector<16x32xf32> to vector<16xf32>
    %broadcast_in_dim3A_645 = vector.shape_cast %reduce_sum3A_644 : vector<16xf32> to vector<16x1xf32>
    %add3A_646 = arith.addf %add3A_629, %broadcast_in_dim3A_645 : vector<16x1xf32>
    %get3A_647 = arith.constant 30 : index
    %get3A_648 = arith.constant 0 : index
    %get3A_649 = arith.constant 0 : index
    %get3A_650 = vector.load %arg4[%get3A_647, %get3A_648, %get3A_649] : memref<32x16x32xf32, #tpu.memory_space<vmem>>, vector<1x16x32xf32>
    %get3A_651 = vector.shape_cast %get3A_650 : vector<1x16x32xf32> to vector<16x32xf32>
    %get3A_652 = arith.constant 0 : index
    %get3A_653 = arith.constant 960 : index
    %get3A_654 = arith.constant 0 : index
    %get3A_655 = vector.load %arg2[%get3A_652, %get3A_653, %get3A_654] : memref<1x1024x768xf32, #tpu.memory_space<vmem>>, vector<1x32x768xf32>
    %get3A_656 = vector.shape_cast %get3A_655 : vector<1x32x768xf32> to vector<32x768xf32>
    %dot_general3A_657 = arith.constant dense<0.000000e+00> : vector<16x768xf32>
    %dot_general3A_658 = tpu.matmul %get3A_651, %get3A_656, %dot_general3A_657 {dimension_numbers = #tpu.dot_dimension_numbers<[1], [0], [0], [1], [0, 0, 1, 1], [], []>, transpose_lhs_hint = false} : vector<16x32xf32>, vector<32x768xf32>, vector<16x768xf32> -> vector<16x768xf32>
    %add3A_659 = arith.addf %add3A_642, %dot_general3A_658 : vector<16x768xf32>
    %reduce_sum3A_660 = arith.constant dense<0.000000e+00> : vector<16xf32>
    %reduce_sum3A_661 = vector.multi_reduction <add>, %get3A_651, %reduce_sum3A_660 [1] : vector<16x32xf32> to vector<16xf32>
    %broadcast_in_dim3A_662 = vector.shape_cast %reduce_sum3A_661 : vector<16xf32> to vector<16x1xf32>
    %add3A_663 = arith.addf %add3A_646, %broadcast_in_dim3A_662 : vector<16x1xf32>
    %get3A_664 = arith.constant 31 : index
    %get3A_665 = arith.constant 0 : index
    %get3A_666 = arith.constant 0 : index
    %get3A_667 = vector.load %arg4[%get3A_664, %get3A_665, %get3A_666] : memref<32x16x32xf32, #tpu.memory_space<vmem>>, vector<1x16x32xf32>
    %get3A_668 = vector.shape_cast %get3A_667 : vector<1x16x32xf32> to vector<16x32xf32>
    %get3A_669 = arith.constant 0 : index
    %get3A_670 = arith.constant 992 : index
    %get3A_671 = arith.constant 0 : index
    %get3A_672 = vector.load %arg2[%get3A_669, %get3A_670, %get3A_671] : memref<1x1024x768xf32, #tpu.memory_space<vmem>>, vector<1x32x768xf32>
    %get3A_673 = vector.shape_cast %get3A_672 : vector<1x32x768xf32> to vector<32x768xf32>
    %dot_general3A_674 = arith.constant dense<0.000000e+00> : vector<16x768xf32>
    %dot_general3A_675 = tpu.matmul %get3A_668, %get3A_673, %dot_general3A_674 {dimension_numbers = #tpu.dot_dimension_numbers<[1], [0], [0], [1], [0, 0, 1, 1], [], []>, transpose_lhs_hint = false} : vector<16x32xf32>, vector<32x768xf32>, vector<16x768xf32> -> vector<16x768xf32>
    %add3A_676 = arith.addf %add3A_659, %dot_general3A_675 : vector<16x768xf32>
    %reduce_sum3A_677 = arith.constant dense<0.000000e+00> : vector<16xf32>
    %reduce_sum3A_678 = vector.multi_reduction <add>, %get3A_668, %reduce_sum3A_677 [1] : vector<16x32xf32> to vector<16xf32>
    %broadcast_in_dim3A_679 = vector.shape_cast %reduce_sum3A_678 : vector<16xf32> to vector<16x1xf32>
    %add3A_680 = arith.addf %add3A_663, %broadcast_in_dim3A_679 : vector<16x1xf32>
    %add3A_681 = arith.constant 9.99999997E-7 : f32
    %add3A_682 = vector.broadcast %add3A_681 : f32 to vector<16x1xf32>
    %add3A_683 = arith.addf %add3A_680, %add3A_682 : vector<16x1xf32>
    %div3A = vector.broadcast %add3A_683 : vector<16x1xf32> to vector<16x768xf32>
    %div3A_684 = arith.divf %add3A_676, %div3A : vector<16x768xf32>
    %swap3A_685 = arith.constant 0 : index
    %swap3A_686 = arith.constant 0 : index
    %swap3A_687 = arith.constant 0 : index
    %swap3A_688 = vector.load %arg3[%swap3A_685, %swap3A_686, %swap3A_687] : memref<1x16x768xf32, #tpu.memory_space<vmem>>, vector<1x16x768xf32>
    %swap3A_689 = vector.shape_cast %swap3A_688 : vector<1x16x768xf32> to vector<16x768xf32>
    %swap3A_690 = vector.shape_cast %div3A_684 : vector<16x768xf32> to vector<1x16x768xf32>
    tpu.vector_store %arg3[%swap3A_685, %swap3A_686, %swap3A_687], %swap3A_690 {strides = array<i32>} : memref<1x16x768xf32, #tpu.memory_space<vmem>>, vector<1x16x768xf32>,
    return
  }
  func.func @transform_0(%arg0: i32) -> (i32, i32, i32) {
    %c0_i32 = arith.constant 0 : i32
    %c0_i32_0 = arith.constant 0 : i32
    %c0_i32_1 = arith.constant 0 : i32
    return %arg0, %c0_i32, %c0_i32_0 : i32, i32, i32
  }
  func.func @transform_1(%arg0: i32) -> (i32, i32, i32) {
    %c0_i32 = arith.constant 0 : i32
    %c0_i32_0 = arith.constant 0 : i32
    %c0_i32_1 = arith.constant 0 : i32
    return %arg0, %c0_i32, %c0_i32_0 : i32, i32, i32
  }
  func.func @transform_2(%arg0: i32) -> (i32, i32, i32) {
    %c0_i32 = arith.constant 0 : i32
    %c0_i32_0 = arith.constant 0 : i32
    %c0_i32_1 = arith.constant 0 : i32
    return %arg0, %c0_i32, %c0_i32_0 : i32, i32, i32
  }
}

</mosaic_0001>

<sc_bundles>
// kernel: kernel.5.cloned.1.call-start
scs
__scs_entry_jumppad:
0x0: {  	(pc) =	sbr.rel $0x88, $3  }
0x1: {  	(tag) =	ssettag $0x0;
	lr =	simm.s32 $0x1  }
0x2: {  	[smem:$0x3F9E] =	sst lr;
	_ =	strace $0xD0000000  }
0x3: {  	_ = 	snop  }
0x4: {  	_ = 	snop  }
0x5: {  	_ = 	snop  }
0x6: {  	_ = 	snop  }
0x7: {  	_ = 	snop  }
__scs_overlays_trampoline_lowered:
0x8: {  	[smem:$0x3FAD] =	sst s0  }
0x9: {  	[smem:$0x3FAE] =	sst s1  }
0xa: {  	[smem:$0x3FAF] =	sst s2  }
0xb: {  	[smem:$0x3FB0] =	sst s3  }
0xc: {  	[smem:$0x3FB1] =	sst s4  }
0xd: {  	[smem:$0x3FB2] =	sst s5  }
0xe: {  	[smem:$0x3FB3] =	sst s6  }
0xf: {  	[smem:$0x3FB4] =	sst s7  }
0x10: {  	[smem:$0x3FB5] =	sst s8  }
0x11: {  	[smem:$0x3FB6] =	sst s9;
	s0 =	simm.s32 @!p0 $0x0  }
0x12: {  	s1 =	sld [smem:$0x3F9C];
	s0 =	simm.s32 @p0 $0x1  }
0x13: {  	[smem:$0x3FB7] =	sst s0;
	s0 =	simm.s32 @!p1 $0x0  }
0x14: {  	s2 =	sld [smem:$0x3F9B];
	s0 =	simm.s32 @p1 $0x1  }
0x15: {  	[smem:$0x3FB8] =	sst s0;
	s0 =	simm.s32 @!p2 $0x0  }
0x16: {  	s3 =	sld [smem:$0x3FDB];
	s0 =	simm.s32 @p2 $0x1  }
0x17: {  	s4 =	simm.s32 $0x1BF5;
	[smem:$0x3FBA] =	sst s0  }
0x18: {  	s0 =	sld [smem:$0x3F9D];
	_ =	swait.ge [sflag:s4], $0x0  }
0x19: {  	s7 =	sld [smem:$0x3F9E]  }
0x1a: {  	s8 =	sadd.s32 $0xFFFFE003, lr  }
0x1b: {  	s9 =	sadd.s32 $0xFFFFFEF7, lr;
	s5 =	simm.s32 $0xFFFFFFFF;
	p2 =	slt.u32 s8, $0xFFFFF086  }
0x1c: {  	p1 =	slt.u32 s9, $0xF7A;
	s5 =	simm.s32 @!p2 $0x0  }
0x1d: {  	s5 =	simm.s32 @p1 $0x1;
	p0 =	seq.s32 s7, s2  }
0x1e: {  	s7 =	smul.u32 @!p0 $0xF7A, s2;
	p2 =	seq.s32 @!p0 s5, $0x0  }
0x1f: {  	s9 =	smul.u32 $0xF7A, s1;
	s8 =	simm.s32 @!p0 $0x1BF5;
	p2 =	por !p2, p0  }
0x20: {  	[sflag:s8] =	ssyncset.s32 @!p0 $0xFFFFF086;
	s6 =	sadd.s32 @!p0 s3, s7;
	s7 =	simm.s32 @!p0 $0x108  }
0x21: {  	s3 =	sadd.s32 s3, s9;
	s6 =	sadd.s32 @!p0 $0x88, s6;
	s7 =	simm.s32 @p2 $0x1082  }
0x22: {  	[simem:s7], [sflag:s8] =	dma.local @!p0 [hbm:s6], $0xF7A  }
0x23: {  	s9 =	sor.u32 $0xD0000000, s2;
	s6 =	simm.s32 $0x108;
	_ =	swait.ge @!p0 [sflag:s8], $0x0  }
0x24: {  	s3 =	sadd.s32 $0x88, s3;
	s6 =	simm.s32 @!p1 $0x1082;
	[sflag:s4] =	ssyncset.s32 $0xFFFFF086  }
0x25: {  	[simem:s6], [sflag:s4] =	dma.local [hbm:s3], $0xF7A  }
0x26: {  	[smem:$0x3F9E] =	sst s1;
	(tag) =	ssettag s2;
	_ =	strace s9  }
0x27: {  	s1 =	sld [smem:$0x3FAE]  }
0x28: {  	s2 =	sld [smem:$0x3FAF]  }
0x29: {  	s4 =	sld [smem:$0x3FB1]  }
0x2a: {  	p0 =	seq.s32 s5, $0x0;
	s5 =	sld [smem:$0x3FB2]  }
0x2b: {  	s6 =	sld [smem:$0x3FB3]  }
0x2c: {  	s7 =	sld [smem:$0x3FB4]  }
0x2d: {  	s3 =	simm.s32 $0x108;
	s8 =	sld [smem:$0x3FB5]  }
0x2e: {  	s3 =	simm.s32 @!p0 $0x1082;
	s9 =	sld [smem:$0x3FB6]  }
0x2f: {  	lr =	sadd.s32 s0, s3;
	s0 =	sld [smem:$0x3FAD]  }
0x30: {  	s3 =	sld [smem:$0x3FB0]  }
0x31: {  	[smem:$0x3FB9] =	sst s10  }
0x32: {  	s10 =	sld [smem:$0x3FB7];
	_ =	sdelay $0x3  }
0x33: {  	p0 =	seq.s32 s10, $0x1;
	s10 =	sld [smem:$0x3FB9];
	_ =	sdelay $0x3  }
0x34: {  	[smem:$0x3FB9] =	sst s10  }
0x35: {  	s10 =	sld [smem:$0x3FB8];
	_ =	sdelay $0x3  }
0x36: {  	p1 =	seq.s32 s10, $0x1;
	s10 =	sld [smem:$0x3FB9];
	_ =	sdelay $0x3  }
0x37: {  	[smem:$0x3FB9] =	sst s10  }
0x38: {  	s10 =	sld [smem:$0x3FBA]  }
0x39: {  	_ = 	snop;
	(pc) =	sbr.ind lr, $3  }
0x3a: {  	_ = 	snop  }
0x3b: {  	_ = 	snop  }
0x3c: {  	p2 =	seq.s32 s10, $0x1;
	s10 =	sld [smem:$0x3FB9]  }
0x3d: {  	_ =	shalt  }
0x3e: {  	_ =	shalt  }
0x3f: {  	_ =	shalt  }
0x40: {  	_ =	shalt  }
0x41: {  	_ =	shalt  }
0x42: {  	_ =	shalt  }
0x43: {  	_ =	shalt  }
0x44: {  	_ =	shalt  }
0x45: {  	_ =	shalt  }
0x46: {  	_ =	shalt  }
0x47: {  	_ =	shalt  }
0x48: {  	_ =	shalt  }
0x49: {  	_ =	shalt  }
0x4a: {  	_ =	shalt  }
0x4b: {  	_ =	shalt  }
0x4c: {  	_ =	shalt  }
0x4d: {  	_ =	shalt  }
0x4e: {  	_ =	shalt  }
0x4f: {  	_ =	shalt  }
0x50: {  	_ =	shalt  }
0x51: {  	_ =	shalt  }
0x52: {  	_ =	shalt  }
0x53: {  	_ =	shalt  }
0x54: {  	_ =	shalt  }
0x55: {  	_ =	shalt  }
0x56: {  	_ =	shalt  }
0x57: {  	_ =	shalt  }
0x58: {  	_ =	shalt  }
0x59: {  	_ =	shalt  }
0x5a: {  	_ =	shalt  }
0x5b: {  	_ =	shalt  }
0x5c: {  	_ =	shalt  }
0x5d: {  	_ =	shalt  }
0x5e: {  	_ =	shalt  }
0x5f: {  	_ =	shalt  }
0x60: {  	_ =	shalt  }
0x61: {  	_ =	shalt  }
0x62: {  	_ =	shalt  }
0x63: {  	_ =	shalt  }
0x64: {  	_ =	shalt  }
0x65: {  	_ =	shalt  }
0x66: {  	_ =	shalt  }
0x67: {  	_ =	shalt  }
0x68: {  	_ =	shalt  }
0x69: {  	_ =	shalt  }
0x6a: {  	_ =	shalt  }
0x6b: {  	_ =	shalt  }
0x6c: {  	_ =	shalt  }
0x6d: {  	_ =	shalt  }
0x6e: {  	_ =	shalt  }
0x6f: {  	_ =	shalt  }
0x70: {  	_ =	shalt  }
0x71: {  	_ =	shalt  }
0x72: {  	_ =	shalt  }
0x73: {  	_ =	shalt  }
0x74: {  	_ =	shalt  }
0x75: {  	_ =	shalt  }
0x76: {  	_ =	shalt  }
0x77: {  	_ =	shalt  }
0x78: {  	_ =	shalt  }
0x79: {  	_ =	shalt  }
0x7a: {  	_ =	shalt  }
0x7b: {  	_ =	shalt  }
0x7c: {  	_ =	shalt  }
0x7d: {  	_ =	shalt  }
0x7e: {  	_ =	shalt  }
0x7f: {  	_ =	shalt  }
0x80: {  	_ =	shalt  }
0x81: {  	_ =	shalt  }
0x82: {  	_ =	shalt  }
0x83: {  	_ =	shalt  }
0x84: {  	_ =	shalt  }
0x85: {  	_ =	shalt  }
0x86: {  	_ =	shalt  }
0x87: {  	_ =	shalt  }
.Lfunc_end0:
.L_simem_size_0:
called_computation_lowered:
.L_overlay_start_0:
0x88: {  	s2 =	sld [smem:$0x3FD9]  }
0x89: {  	s3 =	sld [smem:$0x3FFE];
	_ =	sdelay $0x1  }
0x8a: {  	s1 =	srdreg.scid  }
0x8b: {  	s0 =	sand.u32 $0x1, s1  }
0x8c: {  	s14 =	sshll.u32 s0, $0xA;
	s2 =	sadd.s32 s3, s2  }
0x8d: {  	s2 =	sadd.s32 s2, s14  }
0x8e: {  	[smem:$0x3FC5] =	sst s2  }
0x8f: {  	_ = 	snop  }
0x90: {  	s2 =	sld [smem:$0x3FD0];
	_ =	sdelay $0x2  }
0x91: {  	s4 =	simm.s32 $0xA;
	s5 =	simm.s32 $0x10;
	s15 =	sld [smem:$0x3FC9]  }
0x92: {  	[smem:s5], [sflag:s4] =	dma.local [hbm:s2], $0x1  }
0x93: {  	_ =	swait.eq [sflag:s4], $0x1  }
0x94: {  	[sflag:s4] =	ssyncset.done $0x0  }
0x95: {  	[sflag:s4] =	ssyncadd.s32 $0xFFFFFFFF  }
0x96: {  	s16 =	sld [smem:$0x10];
	(tm) =	ssettm $0x1  }
0x97: {  	s17 =	sld [smem:$0x3FFB];
	_ =	sdelay $0x3  }
0x98: {  	_ =	strace s17  }
0x99: {  	s4 =	sld [smem:$0x3FFC];
	_ =	sdelay $0x3  }
0x9a: {  	_ =	strace s4  }
0x9b: {  	s4 =	sld [smem:$0x3FFD];
	_ =	sdelay $0x3  }
0x9c: {  	_ =	strace s4  }
0x9d: {  	_ =	strace $0x8FFFFFFF  }
0x9e: {  	s18 =	sld [smem:$0x3FDB];
	_ =	sdelay $0x1  }
0x9f: {  	s19 =	simm.s32 $_scs_section_size  }
0xa0: {  	s6 =	simm.s32 $_size__tile_overlayer_lowered;
	s7 =	simm.s32 $_tile_overlayer_lowered  }
0xa1: {  	s22 =	simm.s32 $0x1BFF;
	s21 =	sshll.u32 s7, $0x1;
	s4 =	sadd.s32 s19, s18  }
0xa2: {  	s8 =	simm.s32 $0x0;
	s20 =	sshll.u32 s6, $0x1;
	s6 =	sadd.s32 s21, s4  }
0xa3: {  	[timem:s8], [sflag:s22] =	dma.local [hbm:s6], s20  }
0xa4: {  	_ =	swait.ge [sflag:s22], s20  }
0xa5: {  	s5 =	ssub.s32 $0x0, s20;
	[sflag:s22] =	ssyncset.done $0x0  }
0xa6: {  	[sflag:s22] =	ssyncadd.s32 s5;
	_ =	sdelay $0x1  }
0xa7: {  	s23 =	simm.s32 $0x1B8B  }
0xa8: {  	_ =	swait.ge [sflag:s23], $0x1  }
0xa9: {  	[sflag:s23] =	ssyncset.done $0x0  }
0xaa: {  	s25 =	simm.s32 $0x1B8E;
	s24 =	sld [smem:$0x3FFE];
	[sflag:s23] =	ssyncadd.s32 $0xFFFFFFFF  }
0xab: {  	s26 =	simm.s32 $execute0_lowered;
	[smem:$0x3FD2] =	sst s25  }
0xac: {  	s6 =	sshll.u32 s26, $0x1;
	_ =	strace $0x80000046;
	[dreg:$0x1] =	wrdreg $0xFFFFFFFF  }
0xad: {  	s28 =	simm.s32 $_size_execute0_lowered;
	s4 =	sadd.s32 s4, s6;
	[dreg:$0x0] =	wrdreg $0x0  }
0xae: {  	s6 =	sshll.u32 s28, $0x1;
	[dreg:$0x2] =	wrdreg s4  }
0xaf: {  	[dreg:$0x3] =	wrdreg s6  }
0xb0: {  	[dreg:$0x4] =	wrdreg $0xC0  }
0xb1: {  	_ =	task [dreg:s8], $0x5FFFF  }
0xb2: {  	[dreg:$0x1] =	wrdreg $0xFFFFFFFF  }
0xb3: {  	[dreg:$0x0] =	wrdreg $0x60  }
0xb4: {  	[dreg:$0x2] =	wrdreg s16  }
0xb5: {  	[dreg:$0x3] =	wrdreg s15  }
0xb6: {  	[dreg:$0x4] =	wrdreg s24  }
0xb7: {  	[dreg:$0x5] =	wrdreg $0x9  }
0xb8: {  	_ =	task.clear_ibuf [dreg:s8], $0x6FFFF;
	_ =	strace $0x90000046  }
0xb9: {  	s29 =	simm.s32 $0x9;
	_ =	strace $0x80000048  }
0xba: {  	_ =	swait.ge [sflag:s29], $0x1  }
0xbb: {  	[sflag:s29] =	ssyncadd.s32 $0xFFFFFFFF  }
0xbc: {  	_ =	strace $0x90000048  }
0xbd: {  	_ =	sfence  }
0xbe: {  	s30 =	sld [smem:$0x0];
	_ =	sdelay $0x2  }
0xbf: {  	s31 =	sshll.u32 s1, $0xD;
	s1 =	sshrl.u32 s1, $0x2  }
0xc0: {  	s3 =	sand.u32 $0x4000, s31;
	s1 =	sadd.s32 s1, s30  }
0xc1: {  	s0 =	sor.u32 s3, s0;
	s1 =	sshll.u32 s1, $0x11  }
0xc2: {  	s0 =	sor.u32 s1, s0  }
0xc3: {  	s0 =	sadd.s32 $0x8F2B, s0  }
0xc4: {  	[sflag:s0] =	ssyncadd.remote.s32 $0x1  }
0xc5: {  	_ =	sfence.sel $0xFFFF  }
0xc6: {  	[dreg:$0x0] =	wrdreg $0xFFFFFFFF;
	(pc) =	sbr.abs _section_cstart, $3  }
0xc7: {  	[dreg:$0x1] =	wrdreg $0xFFFFFFFF  }
0xc8: {  	_ =	task.clear_ibuf [dreg:s8], $0x2FFFF;
	_ =	strace $0x9FFFFFFF  }
0xc9: {  	(tm) =	ssettm $0x7FFFFFFF  }
tec
execute0_lowered:
.L_overlay_start_1:
0x0: {  	(tag) =	ssettag $0x1  }
0x1: {  	s4 =	rddreg [dreg:$0x0];
	s1 =	srdreg.scid  }
0x2: {  	s2 =	rddreg [dreg:$0x1];
	s0 =	stileid.u32;
	s11 =	sand.u32 $0x1, s1  }
0x3: {  	s12 =	rddreg [dreg:$0x2];
	s5 =	sshll.u32 s0, $0x2;
	s6 =	sshll.u32 s11, $0x1  }
0x4: {  	s3 =	simm.s32 $0x0;
	s1 =	rddreg [dreg:$0x3];
	s13 =	sor.u32 s6, s5  }
0x5: {  	[smem:$0x7FF] =	sst s3;
	s5 =	sshll.u32 s13, $0x4  }
0x6: {  	_ =	strace $0x80000047;
	s5 =	sadd.s32 s4, s5;
	s4 =	simm.s32 $0x2  }
0x7: {  	[tilespmem:s3], [sflag:$0x2] =	stream.linear.gather [hbm4b:s5+s3], $0x100, $0x38;
	[tilespmem:$0x4100] =	vst v63  }
0x8: {  	_ =	swait.ge [sflag:s4], $0x100  }
0x9: {  	s7 =	simm.s32 $0x100;
	[sflag:s4] =	ssyncset.done $0x0  }
0xa: {  	s8 =	simm.s32 $0x80;
	s6 =	simm.s32 $0x40;
	[sflag:s4] =	ssyncadd.s32 $0xFFFFFF00  }
0xb: {  	[tilespmem:s7], [sflag:$0x1] =	stream.indirect.gather [hbm4b:s2+s6], $0x80, s3, s6, $0xb8;
	[tilespmem:$0x4100] =	vst v63  }
0xc: {  	s9 =	simm.s32 $0x2100;
	s10 =	simm.s32 $0x1;
	s11 =	ssub.s32 $0x2, s11  }
0xd: {  	[tilespmem:s9], [sflag:$0x1] =	stream.indirect.gather [hbm4b:s2+s6], $0x80, s8, s6, $0xb8;
	[tilespmem:$0x4100] =	vst v63  }
0xe: {  	s14 =	sshrl.u32 s11, $0x1;
	_ =	swait.ge [sflag:s10], $0x2000  }
0xf: {  	s30 =	ssub.s32 s11, s14;
	[sflag:s10] =	ssyncset.done $0x0  }
0x10: {  	s31 =	smax.u32 s30, $0x1;
	[sflag:s10] =	ssyncadd.s32 $0xFFFFE000  }
0x11: {  	s13 =	sshll.u32 s13, $0xA;
	p0 =	sne.s32 s31, $0x1;
	_ =	swait.ge [sflag:s10], $0x2000  }
.Ltmp0:
0x12: {  	s12 =	sadd.s32 s13, s12;
	[sflag:s10] =	ssyncset.done $0x0;
	(pc) =	sbr.rel @!p0 .LBB2_2-.Ltmp0, $4  }
0x13: {  	s11 =	sadd.s32 $0xC00, s12;
	[sflag:s10] =	ssyncadd.s32 $0xFFFFE000  }
0x14: {  	[hbm4b:s11+s3] =	stream.linear.scatter [tilespmem:s7], [sflag:$0x2], $0x4000, $0x38;
	[tilespmem:$0x4100] =	vst v63  }
0x15: {  	_ =	swait.ge [sflag:s4], $0x4000  }
0x16: {  	s12 =	sadd.s32 $0xFFFFFFFF, s31;
	[sflag:s4] =	ssyncset.done $0x0  }
.LBB2_1:
0x17: {  	p0 =	sne.s32 s12, $0x1;
	s12 =	sadd.s32 $0xFFFFFFFF, s12;
	[sflag:s4] =	ssyncadd.s32 $0xFFFFC000  }
0x18: {  	[tilespmem:s3], [sflag:$0x2] =	stream.linear.gather [hbm4b:s5+s3], $0x100, $0x38;
	[tilespmem:$0x4100] =	vst v63  }
0x19: {  	_ =	swait.ge [sflag:s4], $0x100  }
0x1a: {  	[sflag:s4] =	ssyncset.done $0x0  }
0x1b: {  	[sflag:s4] =	ssyncadd.s32 $0xFFFFFF00  }
0x1c: {  	[tilespmem:s7], [sflag:$0x1] =	stream.indirect.gather [hbm4b:s2+s6], $0x80, s3, s6, $0xb8;
	[tilespmem:$0x4100] =	vst v63  }
0x1d: {  	_ = 	snop  }
0x1e: {  	[tilespmem:s9], [sflag:$0x1] =	stream.indirect.gather [hbm4b:s2+s6], $0x80, s8, s6, $0xb8;
	[tilespmem:$0x4100] =	vst v63  }
0x1f: {  	_ =	swait.ge [sflag:s10], $0x2000  }
0x20: {  	[sflag:s10] =	ssyncset.done $0x0  }
0x21: {  	[sflag:s10] =	ssyncadd.s32 $0xFFFFE000  }
0x22: {  	_ =	swait.ge [sflag:s10], $0x2000  }
.Ltmp1:
0x23: {  	[sflag:s10] =	ssyncset.done $0x0;
	(pc) =	sbr.rel @p0 .LBB2_1-.Ltmp1, $4  }
0x24: {  	[sflag:s10] =	ssyncadd.s32 $0xFFFFE000  }
0x25: {  	[hbm4b:s11+s3] =	stream.linear.scatter [tilespmem:s7], [sflag:$0x2], $0x4000, $0x38;
	[tilespmem:$0x4100] =	vst v63  }
0x26: {  	_ =	swait.ge [sflag:s4], $0x4000  }
0x27: {  	[sflag:s4] =	ssyncset.done $0x0  }
.LBB2_2:
0x28: {  	[sflag:s4] =	ssyncadd.s32 $0xFFFFC000  }
0x29: {  	_ =	sfence.sel $0x180000  }
0x2a: {  	[bflag:$0x0] =	sbarrier.arrive $0xFFFF  }
0x2b: {  	p0 =	sne.s32 s0, $0x0;
	_ =	strace $0x90000047  }
0x2c: {  	s0 =	sadd.s32 @!p0 $0x100000, s1;
	[bflag:$0x2] =	sbarrier.arrive $0xFFFF  }
0x2d: {  	[sflag:s0] =	ssyncadd.tile.s32 @!p0 $0x1;
	_ =	shalt  }
.Lfunc_end2:
_tile_overlayer_lowered:
.L_overlay_start_2:
0x2e: {  	(tag) =	ssettag $0x2  }
0x2f: {  	s0 =	rddreg [dreg:$0x0];
	s2 =	stileid.u32  }
0x30: {  	s1 =	rddreg [dreg:$0x1];
	p0 =	sne.s32 s2, $0x0  }
0x31: {  	s3 =	rddreg [dreg:$0x2];
	[bflag:$0x3] =	sbarrier.arrive $0xFFFF;
	s2 =	simm.s32 @!p0 $0x1C02  }
0x32: {  	[timem:s3], [sflag:s2] =	dma.local @!p0 [hbm:s0], s1  }
0x33: {  	s0 =	simm.s32 @!p0 $0x2  }
0x34: {  	_ =	swait.ge @!p0 [sflag:s0], s1  }
0x35: {  	s1 =	ssub.s32 @!p0 $0x0, s1;
	[sflag:s0] =	ssyncset.done @!p0 $0x0  }
0x36: {  	[sflag:s0] =	ssyncadd.s32 @!p0 s1  }
0x37: {  	[bflag:$0x3] =	sbarrier.arrive $0xFFFF  }
0x38: {  	_ =	shalt  }

</sc_bundles>
